<compile_context>
chip_gen: v7x
topology: tpu7x:2x2x1
jax: 0.10.2.dev20260603
libtpu: 0.0.44.dev20260713+nightly
codegen_flags: <defaults>
</compile_context>

<pallas_src>
import jax
import jax.numpy as jnp
from jax import lax
from jax.experimental import pallas as pl
from jax.experimental.pallas import tpu as pltpu
from jax.experimental.pallas import tpu_sc as plsc

_N = 100000
_DIM = 32
_B, _D, _H, _W = 2, 21, 320, 320
_TOTAL = _B * _D * _H * _W
_EPS = 1e-5
_K = 27

_NTILES = 32
_PER_TILE = 3328
_NPAD = _NTILES * _PER_TILE
_GRP = 64
_NGRP = _PER_TILE // _GRP
_KW = 128

_OFFS = [((dz * _H + dy) * _W + dx, dz, dy, dx)
         for dz in (-1, 0, 1) for dy in (-1, 0, 1) for dx in (-1, 0, 1)]


def _sc_gather(table, pk, feats128):
  mesh = plsc.VectorSubcoreMesh(core_axis_name="c", subcore_axis_name="s")

  def body(tab_hbm, pk_hbm, f_hbm, g_hbm,
           pkb, zb, yb, xb, lb, qb, tb, rows2, sem_t, sem_f):
    cid = lax.axis_index("c")
    sid = lax.axis_index("s")
    wid = sid * 2 + cid
    base = wid * _PER_TILE

    def grp_body(g, carry):
      v0 = base + g * _GRP
      pltpu.sync_copy(pk_hbm.at[pl.ds(v0, _GRP)], pkb)

      def unpack_body(u, ucarry):
        sl = pl.ds(u * 16, 16)
        pv = pkb[sl]
        bv = (pv >> 23) & 1
        zv = (pv >> 18) & 31
        yv = (pv >> 9) & 511
        xv = pv & 511
        zb[sl] = zv
        yb[sl] = yv
        xb[sl] = xv
        lb[sl] = ((bv * _D + zv) * _H + yv) * _W + xv
        return ucarry
      lax.fori_loop(0, _GRP // 16, unpack_body, 0)

      def q_body(k, kcarry):
        dz = k // 9 - 1
        r9 = k % 9
        dy = r9 // 3 - 1
        dx = r9 % 3 - 1
        offc = (dz * _H + dy) * _W + dx

        def u_body(u, ucarry):
          sl = pl.ds(u * 16, 16)
          ok = ((zb[sl] + dz >= 0) & (zb[sl] + dz < _D)
                & (yb[sl] + dy >= 0) & (yb[sl] + dy < _H)
                & (xb[sl] + dx >= 0) & (xb[sl] + dx < _W))
          nl = lb[sl] + offc
          qb[k, sl] = jnp.where(ok, jnp.clip(nl, 0, _TOTAL - 1),
                                _TOTAL).astype(jnp.int32)
          return ucarry
        lax.fori_loop(0, _GRP // 16, u_body, 0)
        pltpu.async_copy(tab_hbm.at[qb.at[k]], tb.at[k], sem_t)
        return kcarry
      lax.fori_loop(0, _K, q_body, 0)

      def f_body(k, kcarry):
        pltpu.make_async_copy(tab_hbm.at[qb.at[k]], tb.at[k], sem_t).wait()

        @pl.when(k > 0)
        def _():
          km = k - 1
          pltpu.make_async_copy(f_hbm.at[tb.at[km]], rows2.at[km & 1],
                                sem_f).wait()
          col = pl.multiple_of(km * _KW, _KW)
          pltpu.sync_copy(rows2.at[km & 1],
                          g_hbm.at[pl.ds(v0, _GRP), pl.ds(col, _KW)])
        pltpu.async_copy(f_hbm.at[tb.at[k]], rows2.at[k & 1], sem_f)
        return kcarry
      lax.fori_loop(0, _K, f_body, 0)

      pltpu.make_async_copy(f_hbm.at[tb.at[_K - 1]], rows2.at[(_K - 1) & 1],
                            sem_f).wait()
      pltpu.sync_copy(rows2.at[(_K - 1) & 1],
                      g_hbm.at[pl.ds(v0, _GRP),
                               pl.ds((_K - 1) * _KW, _KW)])
      return carry

    lax.fori_loop(0, _NGRP, grp_body, 0)

  f = pl.kernel(
      body,
      out_type=jax.ShapeDtypeStruct((_NPAD, _K * _KW), jnp.float32),
      mesh=mesh,
      scratch_types=[
          pltpu.VMEM((_GRP,), jnp.int32),
          pltpu.VMEM((_GRP,), jnp.int32),
          pltpu.VMEM((_GRP,), jnp.int32),
          pltpu.VMEM((_GRP,), jnp.int32),
          pltpu.VMEM((_GRP,), jnp.int32),
          pltpu.VMEM((_K, _GRP), jnp.int32),
          pltpu.VMEM((_K, _GRP), jnp.int32),
          pltpu.VMEM((2, _GRP, 128), jnp.float32),
          pltpu.SemaphoreType.DMA,
          pltpu.SemaphoreType.DMA,
      ],
  )
  return f(table, pk, feats128)


_RB = 1000


def _tc_body(g_ref, w_ref, b_ref, gam_ref, bet_ref, o_ref):
  a = g_ref[:, :]
  h = jnp.dot(a, w_ref[:, :], preferred_element_type=jnp.float32)
  h = h + b_ref[:, :]
  h = 0.5 * h * (1.0 + lax.erf(h * 0.7071067811865476))
  mu = jnp.mean(h, axis=1, keepdims=True)
  d = h - mu
  var = jnp.mean(d * d, axis=1, keepdims=True)
  o_ref[:, :] = d * lax.rsqrt(var + _EPS) * gam_ref[:, :] + bet_ref[:, :]


def _tc_conv_ln(g, wstack, bias, ln_gamma, ln_beta):
  return pl.pallas_call(
      _tc_body,
      grid=(_N // _RB,),
      in_specs=[
          pl.BlockSpec((_RB, _K * _KW), lambda i: (i, 0)),
          pl.BlockSpec((_K * _KW, _DIM), lambda i: (0, 0)),
          pl.BlockSpec((1, _DIM), lambda i: (0, 0)),
          pl.BlockSpec((1, _DIM), lambda i: (0, 0)),
          pl.BlockSpec((1, _DIM), lambda i: (0, 0)),
      ],
      out_specs=pl.BlockSpec((_RB, _DIM), lambda i: (i, 0)),
      out_shape=jax.ShapeDtypeStruct((_N, _DIM), jnp.float32),
  )(g, wstack, bias.reshape(1, _DIM), ln_gamma.reshape(1, _DIM),
    ln_beta.reshape(1, _DIM))


def kernel(features, coords, weight, bias, ln_gamma, ln_beta):
  b = coords[:, 0]
  z = coords[:, 1]
  y = coords[:, 2]
  x = coords[:, 3]
  lin = ((b * _D + z) * _H + y) * _W + x
  table = jnp.full((_TOTAL + 8,), _N, jnp.int32).at[lin].set(
      jnp.arange(_N, dtype=jnp.int32))

  pk = (b << 23) | (z << 18) | (y << 9) | x
  pk = jnp.pad(pk, (0, _NPAD - _N))
  feats128 = jnp.pad(features, ((0, _NPAD - _N), (0, 128 - _DIM)))

  g = _sc_gather(table, pk, feats128)
  wstack = jnp.pad(weight, ((0, 0), (0, _KW - _DIM), (0, 0))).reshape(
      _K * _KW, _DIM)
  return _tc_conv_ln(g, wstack, bias, ln_gamma, ln_beta)

# --- scband reference (transcript-rebuilt; emitter-appended) ---
"""Pipeline reference for scband-importance3-d-627065225785 (READ-ONLY COPY).

The authoritative reference and input builder live on the scoring server;
editing this copy changes nothing except your own understanding.
"""

import jax, jax.numpy as jnp
import numpy as np

N = 100000
DIM = 32
B = 2
D, H, W = 21, 320, 320
TOTAL = B * D * H * W
EPS = 1e-5


def setup_inputs(seed: int = 0) -> dict:
    key = jax.random.key(seed)
    k1, k2, k3 = jax.random.split(key, 3)
    # unique active voxel sites (submanifold sparse tensor requires unique coords)
    perm = jax.random.permutation(k1, TOTAL)[:N]
    b = perm // (D * H * W)
    r = perm % (D * H * W)
    z = r // (H * W)
    r2 = r % (H * W)
    y = r2 // W
    x = r2 % W
    coords = jnp.stack([b, z, y, x], axis=1).astype(jnp.int32)
    features = jax.random.normal(k2, (N, DIM), dtype=jnp.float32)
    # SubMConv3d weight: one [DIM, DIM] matrix per kernel offset (27 total), groups=1
    weight = jax.random.normal(k3, (27, DIM, DIM), dtype=jnp.float32) * (1.0 / np.sqrt(27 * DIM))
    bias = jnp.zeros((DIM,), dtype=jnp.float32)
    ln_gamma = jnp.ones((DIM,), dtype=jnp.float32)
    ln_beta = jnp.zeros((DIM,), dtype=jnp.float32)
    return {"features": features, "coords": coords, "weight": weight, "bias": bias, "ln_gamma": ln_gamma, "ln_beta": ln_beta}


def _subm_conv(features, coords, weight, bias):
    # build coord -> row-index lookup table (dense occupancy grid)
    lin = ((coords[:, 0] * D + coords[:, 1]) * H + coords[:, 2]) * W + coords[:, 3]
    table = jnp.full((TOTAL,), -1, dtype=jnp.int32).at[lin].set(jnp.arange(N, dtype=jnp.int32))
    out = jnp.zeros((N, DIM), dtype=jnp.float32)
    k = 0
    for dz in (-1, 0, 1):
        for dy in (-1, 0, 1):
            for dx in (-1, 0, 1):
                nz = coords[:, 1] + dz
                ny = coords[:, 2] + dy
                nx = coords[:, 3] + dx
                inb = (nz >= 0) & (nz < D) & (ny >= 0) & (ny < H) & (nx >= 0) & (nx < W)
                nlin = ((coords[:, 0] * D + nz) * H + ny) * W + nx
                nlin = jnp.clip(nlin, 0, TOTAL - 1)
                nidx = jnp.where(inb, table[nlin], -1)
                valid = nidx >= 0
                g = jnp.take(features, jnp.clip(nidx, 0, N - 1), axis=0)
                g = jnp.where(valid[:, None], g, 0.0)
                out = out + g @ weight[k]
                k += 1
    return out + bias


def reference(features, coords, weight, bias, ln_gamma, ln_beta):
    h = _subm_conv(features, coords, weight, bias)
    h = jax.nn.gelu(h, approximate=False)
    mu = jnp.mean(h, axis=-1, keepdims=True)
    var = jnp.var(h, axis=-1, keepdims=True)
    h = (h - mu) / jnp.sqrt(var + EPS)
    return h * ln_gamma + ln_beta

if __name__ == "__main__":
    import jax
    _d = setup_inputs()
    print(jax.jit(kernel)(*tuple(_d.values())))

</pallas_src>

<mosaic_0001>
#map = affine_map<(d0, d1) -> (0)>
#map1 = affine_map<(d0, d1) -> (0, 0)>
module attributes {stable_mosaic.version = 14 : i64} {
  func.func @body(%arg0: i32, %arg1: i32, %arg2: memref<4300808xi32, #tpu.memory_space<hbm>>, %arg3: memref<106496xi32, #tpu.memory_space<hbm>>, %arg4: memref<106496x128xf32, #tpu.memory_space<hbm>>, %arg5: memref<106496x3456xf32, #tpu.memory_space<hbm>>, %arg6: memref<64xi32, #tpu.memory_space<vmem>>, %arg7: memref<64xi32, #tpu.memory_space<vmem>>, %arg8: memref<64xi32, #tpu.memory_space<vmem>>, %arg9: memref<64xi32, #tpu.memory_space<vmem>>, %arg10: memref<64xi32, #tpu.memory_space<vmem>>, %arg11: memref<27x64xi32, #tpu.memory_space<vmem>>, %arg12: memref<27x64xi32, #tpu.memory_space<vmem>>, %arg13: memref<2x64x128xf32, #tpu.memory_space<vmem>>, %arg14: memref<!tpu.dma_semaphore, #tpu.memory_space<semaphore_mem>>, %arg15: memref<!tpu.dma_semaphore, #tpu.memory_space<semaphore_mem>>) attributes {dimension_semantics = [#tpu.dimension_semantics<core_parallel>, #tpu.dimension_semantics<subcore_parallel>], iteration_bounds = array<i64: 2, 16>, scalar_prefetch = 0 : i64, scratch_operands = 10 : i64, tpu.core_type = #tpu.core_type<sc_vector_subcore>, window_params = [{transform_indices = #map}, {transform_indices = #map}, {transform_indices = #map1}, {transform_indices = #map1}]} {
    %mul3A = arith.constant 2 : i32
    %mul3A_0 = arith.muli %arg1, %mul3A : i32
    %add3A = arith.addi %mul3A_0, %arg0 : i32
    %mul3A_1 = arith.constant 3328 : i32
    %mul3A_2 = arith.muli %add3A, %mul3A_1 : i32
    %scan3A = arith.constant 0 : i32
    %scan3A_3 = arith.constant 0 : i32
    %scan3A_4 = arith.constant 52 : i32
    %scan3A_5 = arith.addi %scan3A_3, %scan3A_4 : i32
    %scan3A_6 = arith.constant 1 : i32
    scf.for %scan3A_8 = %scan3A_3 to %scan3A_5 step %scan3A_6  : i32 {
      %mul3A_9 = arith.constant 64 : i32
      %mul3A_10 = arith.muli %scan3A_8, %mul3A_9 : i32
      %add3A_11 = arith.addi %mul3A_2, %mul3A_10 : i32
      "tpu.region"() ({
        %run_scoped3A_41 = tpu.sem_alloc : memref<!tpu.dma_semaphore, #tpu.memory_space<semaphore_mem>>
        %dma_start3A = tpu.memref_slice %arg3[%add3A_11] : memref<106496xi32, #tpu.memory_space<hbm>> -> memref<64xi32, #tpu.memory_space<hbm>>
        %dma_start3A_42 = tpu.memref_slice %arg3[%add3A_11] : memref<106496xi32, #tpu.memory_space<hbm>> -> memref<64xi32, #tpu.memory_space<hbm>>
        tpu.enqueue_dma source(%dma_start3A_42 : memref<64xi32, #tpu.memory_space<hbm>>) target(%arg6 : memref<64xi32, #tpu.memory_space<vmem>>) target_semaphore(%run_scoped3A_41 : memref<!tpu.dma_semaphore, #tpu.memory_space<semaphore_mem>>)
        %dma_wait3A_43 = tpu.memref_slice %arg3[%add3A_11] : memref<106496xi32, #tpu.memory_space<hbm>> -> memref<64xi32, #tpu.memory_space<hbm>>
        %dma_wait3A_44 = tpu.memref_slice %arg3[%add3A_11] : memref<106496xi32, #tpu.memory_space<hbm>> -> memref<64xi32, #tpu.memory_space<hbm>>
        tpu.wait_dma2 semaphore(%run_scoped3A_41 : memref<!tpu.dma_semaphore, #tpu.memory_space<semaphore_mem>>) src(%dma_wait3A_44 : memref<64xi32, #tpu.memory_space<hbm>>) dst(%arg6 : memref<64xi32, #tpu.memory_space<vmem>>)
        tpu.yield
      }) : () -> ()
      %scan3A_12 = arith.constant 0 : i32
      %scan3A_13 = arith.constant 0 : i32
      %scan3A_14 = arith.constant 4 : i32
      %scan3A_15 = arith.addi %scan3A_13, %scan3A_14 : i32
      %scan3A_16 = arith.constant 1 : i32
      scf.for %scan3A_41 = %scan3A_13 to %scan3A_15 step %scan3A_16  : i32 {
        %mul3A_42 = arith.constant 16 : i32
        %mul3A_43 = arith.muli %scan3A_41, %mul3A_42 : i32
        %get3A = arith.index_cast %mul3A_43 : i32 to index
        %get3A_44 = tpu.vector_load %arg6[%get3A] {strides = array<i32>} : memref<64xi32, #tpu.memory_space<vmem>>, vector<16xi32>,
        %get3A_45 = vector.shape_cast %get3A_44 : vector<16xi32> to vector<16xi32>
        %shift_right_arithmetic3A = arith.constant 23 : i32
        %shift_right_arithmetic3A_46 = vector.broadcast %shift_right_arithmetic3A : i32 to vector<16xi32>
        %shift_right_arithmetic3A_47 = arith.shrsi %get3A_45, %shift_right_arithmetic3A_46 : vector<16xi32>
        %and3A = arith.constant 1 : i32
        %and3A_48 = vector.broadcast %and3A : i32 to vector<16xi32>
        %and3A_49 = arith.andi %shift_right_arithmetic3A_47, %and3A_48 : vector<16xi32>
        %shift_right_arithmetic3A_50 = arith.constant 18 : i32
        %shift_right_arithmetic3A_51 = vector.broadcast %shift_right_arithmetic3A_50 : i32 to vector<16xi32>
        %shift_right_arithmetic3A_52 = arith.shrsi %get3A_45, %shift_right_arithmetic3A_51 : vector<16xi32>
        %and3A_53 = arith.constant 31 : i32
        %and3A_54 = vector.broadcast %and3A_53 : i32 to vector<16xi32>
        %and3A_55 = arith.andi %shift_right_arithmetic3A_52, %and3A_54 : vector<16xi32>
        %shift_right_arithmetic3A_56 = arith.constant 9 : i32
        %shift_right_arithmetic3A_57 = vector.broadcast %shift_right_arithmetic3A_56 : i32 to vector<16xi32>
        %shift_right_arithmetic3A_58 = arith.shrsi %get3A_45, %shift_right_arithmetic3A_57 : vector<16xi32>
        %and3A_59 = arith.constant 511 : i32
        %and3A_60 = vector.broadcast %and3A_59 : i32 to vector<16xi32>
        %and3A_61 = arith.andi %shift_right_arithmetic3A_58, %and3A_60 : vector<16xi32>
        %and3A_62 = arith.constant 511 : i32
        %and3A_63 = vector.broadcast %and3A_62 : i32 to vector<16xi32>
        %and3A_64 = arith.andi %get3A_45, %and3A_63 : vector<16xi32>
        %swap3A = arith.index_cast %mul3A_43 : i32 to index
        %swap3A_65 = tpu.vector_load %arg7[%swap3A] {strides = array<i32>} : memref<64xi32, #tpu.memory_space<vmem>>, vector<16xi32>,
        %swap3A_66 = vector.shape_cast %swap3A_65 : vector<16xi32> to vector<16xi32>
        %swap3A_67 = vector.shape_cast %and3A_55 : vector<16xi32> to vector<16xi32>
        tpu.vector_store %arg7[%swap3A], %swap3A_67 {strides = array<i32>} : memref<64xi32, #tpu.memory_space<vmem>>, vector<16xi32>,
        %swap3A_68 = arith.index_cast %mul3A_43 : i32 to index
        %swap3A_69 = tpu.vector_load %arg8[%swap3A_68] {strides = array<i32>} : memref<64xi32, #tpu.memory_space<vmem>>, vector<16xi32>,
        %swap3A_70 = vector.shape_cast %swap3A_69 : vector<16xi32> to vector<16xi32>
        %swap3A_71 = vector.shape_cast %and3A_61 : vector<16xi32> to vector<16xi32>
        tpu.vector_store %arg8[%swap3A_68], %swap3A_71 {strides = array<i32>} : memref<64xi32, #tpu.memory_space<vmem>>, vector<16xi32>,
        %swap3A_72 = arith.index_cast %mul3A_43 : i32 to index
        %swap3A_73 = tpu.vector_load %arg9[%swap3A_72] {strides = array<i32>} : memref<64xi32, #tpu.memory_space<vmem>>, vector<16xi32>,
        %swap3A_74 = vector.shape_cast %swap3A_73 : vector<16xi32> to vector<16xi32>
        %swap3A_75 = vector.shape_cast %and3A_64 : vector<16xi32> to vector<16xi32>
        tpu.vector_store %arg9[%swap3A_72], %swap3A_75 {strides = array<i32>} : memref<64xi32, #tpu.memory_space<vmem>>, vector<16xi32>,
        %mul3A_76 = arith.constant 21 : i32
        %mul3A_77 = vector.broadcast %mul3A_76 : i32 to vector<16xi32>
        %mul3A_78 = arith.muli %and3A_49, %mul3A_77 : vector<16xi32>
        %add3A_79 = arith.addi %mul3A_78, %and3A_55 : vector<16xi32>
        %mul3A_80 = arith.constant 320 : i32
        %mul3A_81 = vector.broadcast %mul3A_80 : i32 to vector<16xi32>
        %mul3A_82 = arith.muli %add3A_79, %mul3A_81 : vector<16xi32>
        %add3A_83 = arith.addi %mul3A_82, %and3A_61 : vector<16xi32>
        %mul3A_84 = arith.constant 320 : i32
        %mul3A_85 = vector.broadcast %mul3A_84 : i32 to vector<16xi32>
        %mul3A_86 = arith.muli %add3A_83, %mul3A_85 : vector<16xi32>
        %add3A_87 = arith.addi %mul3A_86, %and3A_64 : vector<16xi32>
        %swap3A_88 = arith.index_cast %mul3A_43 : i32 to index
        %swap3A_89 = tpu.vector_load %arg10[%swap3A_88] {strides = array<i32>} : memref<64xi32, #tpu.memory_space<vmem>>, vector<16xi32>,
        %swap3A_90 = vector.shape_cast %swap3A_89 : vector<16xi32> to vector<16xi32>
        %swap3A_91 = vector.shape_cast %add3A_87 : vector<16xi32> to vector<16xi32>
        tpu.vector_store %arg10[%swap3A_88], %swap3A_91 {strides = array<i32>} : memref<64xi32, #tpu.memory_space<vmem>>, vector<16xi32>,
      }
      %scan3A_17 = arith.constant 4 : i32
      %scan3A_18 = arith.constant 0 : i32
      %scan3A_19 = arith.constant 0 : i32
      %scan3A_20 = arith.constant 27 : i32
      %scan3A_21 = arith.addi %scan3A_19, %scan3A_20 : i32
      %scan3A_22 = arith.constant 1 : i32
      scf.for %scan3A_41 = %scan3A_19 to %scan3A_21 step %scan3A_22  : i32 {
        %jit3A = arith.constant 9 : i32
        %div3A = arith.divsi %scan3A_41, %jit3A : i32
        %sign3A = arith.constant 0 : i32
        %sign3A_42 = arith.cmpi sgt, %scan3A_41, %sign3A : i32
        %sign3A_43 = arith.extui %sign3A_42 : i1 to i32
        %sign3A_44 = arith.constant 0 : i32
        %sign3A_45 = arith.cmpi slt, %scan3A_41, %sign3A_44 : i32
        %sign3A_46 = arith.extui %sign3A_45 : i1 to i32
        %sign3A_47 = arith.subi %sign3A_43, %sign3A_46 : i32
        %sign3A_48 = arith.constant 0 : i32
        %sign3A_49 = arith.cmpi sgt, %jit3A, %sign3A_48 : i32
        %sign3A_50 = arith.extui %sign3A_49 : i1 to i32
        %sign3A_51 = arith.constant 0 : i32
        %sign3A_52 = arith.cmpi slt, %jit3A, %sign3A_51 : i32
        %sign3A_53 = arith.extui %sign3A_52 : i1 to i32
        %sign3A_54 = arith.subi %sign3A_50, %sign3A_53 : i32
        %ne3A = arith.cmpi ne, %sign3A_47, %sign3A_54 : i32
        %rem3A = arith.remsi %scan3A_41, %jit3A : i32
        %ne3A_55 = arith.constant 0 : i32
        %ne3A_56 = arith.cmpi ne, %rem3A, %ne3A_55 : i32
        %and3A = arith.andi %ne3A, %ne3A_56 : i1
        %sub3A = arith.constant 1 : i32
        %sub3A_57 = arith.subi %div3A, %sub3A : i32
        %select_n3A = arith.select %and3A, %sub3A_57, %div3A : i32
        %sub3A_58 = arith.constant 1 : i32
        %sub3A_59 = arith.subi %select_n3A, %sub3A_58 : i32
        %jit3A_60 = arith.constant 9 : i32
        %eq3A = arith.constant 0 : i32
        %eq3A_61 = arith.cmpi eq, %jit3A_60, %eq3A : i32
        %jit3A_62 = arith.constant 1 : i32
        %select_n3A_63 = arith.select %eq3A_61, %jit3A_62, %jit3A_60 : i32
        %rem3A_64 = arith.remsi %scan3A_41, %select_n3A_63 : i32
        %ne3A_65 = arith.constant 0 : i32
        %ne3A_66 = arith.cmpi ne, %rem3A_64, %ne3A_65 : i32
        %lt3A = arith.constant 0 : i32
        %lt3A_67 = arith.cmpi slt, %rem3A_64, %lt3A : i32
        %lt3A_68 = arith.constant 0 : i32
        %lt3A_69 = arith.cmpi slt, %select_n3A_63, %lt3A_68 : i32
        %ne3A_70 = arith.xori %lt3A_67, %lt3A_69 : i1
        %and3A_71 = arith.andi %ne3A_70, %ne3A_66 : i1
        %add3A_72 = arith.addi %rem3A_64, %select_n3A_63 : i32
        %select_n3A_73 = arith.select %and3A_71, %add3A_72, %rem3A_64 : i32
        %jit3A_74 = arith.constant 3 : i32
        %div3A_75 = arith.divsi %select_n3A_73, %jit3A_74 : i32
        %sign3A_76 = arith.constant 0 : i32
        %sign3A_77 = arith.cmpi sgt, %select_n3A_73, %sign3A_76 : i32
        %sign3A_78 = arith.extui %sign3A_77 : i1 to i32
        %sign3A_79 = arith.constant 0 : i32
        %sign3A_80 = arith.cmpi slt, %select_n3A_73, %sign3A_79 : i32
        %sign3A_81 = arith.extui %sign3A_80 : i1 to i32
        %sign3A_82 = arith.subi %sign3A_78, %sign3A_81 : i32
        %sign3A_83 = arith.constant 0 : i32
        %sign3A_84 = arith.cmpi sgt, %jit3A_74, %sign3A_83 : i32
        %sign3A_85 = arith.extui %sign3A_84 : i1 to i32
        %sign3A_86 = arith.constant 0 : i32
        %sign3A_87 = arith.cmpi slt, %jit3A_74, %sign3A_86 : i32
        %sign3A_88 = arith.extui %sign3A_87 : i1 to i32
        %sign3A_89 = arith.subi %sign3A_85, %sign3A_88 : i32
        %ne3A_90 = arith.cmpi ne, %sign3A_82, %sign3A_89 : i32
        %rem3A_91 = arith.remsi %select_n3A_73, %jit3A_74 : i32
        %ne3A_92 = arith.constant 0 : i32
        %ne3A_93 = arith.cmpi ne, %rem3A_91, %ne3A_92 : i32
        %and3A_94 = arith.andi %ne3A_90, %ne3A_93 : i1
        %sub3A_95 = arith.constant 1 : i32
        %sub3A_96 = arith.subi %div3A_75, %sub3A_95 : i32
        %select_n3A_97 = arith.select %and3A_94, %sub3A_96, %div3A_75 : i32
        %sub3A_98 = arith.constant 1 : i32
        %sub3A_99 = arith.subi %select_n3A_97, %sub3A_98 : i32
        %jit3A_100 = arith.constant 3 : i32
        %eq3A_101 = arith.constant 0 : i32
        %eq3A_102 = arith.cmpi eq, %jit3A_100, %eq3A_101 : i32
        %jit3A_103 = arith.constant 1 : i32
        %select_n3A_104 = arith.select %eq3A_102, %jit3A_103, %jit3A_100 : i32
        %rem3A_105 = arith.remsi %select_n3A_73, %select_n3A_104 : i32
        %ne3A_106 = arith.constant 0 : i32
        %ne3A_107 = arith.cmpi ne, %rem3A_105, %ne3A_106 : i32
        %lt3A_108 = arith.constant 0 : i32
        %lt3A_109 = arith.cmpi slt, %rem3A_105, %lt3A_108 : i32
        %lt3A_110 = arith.constant 0 : i32
        %lt3A_111 = arith.cmpi slt, %select_n3A_104, %lt3A_110 : i32
        %ne3A_112 = arith.xori %lt3A_109, %lt3A_111 : i1
        %and3A_113 = arith.andi %ne3A_112, %ne3A_107 : i1
        %add3A_114 = arith.addi %rem3A_105, %select_n3A_104 : i32
        %select_n3A_115 = arith.select %and3A_113, %add3A_114, %rem3A_105 : i32
        %sub3A_116 = arith.constant 1 : i32
        %sub3A_117 = arith.subi %select_n3A_115, %sub3A_116 : i32
        %mul3A_118 = arith.constant 320 : i32
        %mul3A_119 = arith.muli %sub3A_59, %mul3A_118 : i32
        %add3A_120 = arith.addi %mul3A_119, %sub3A_99 : i32
        %mul3A_121 = arith.constant 320 : i32
        %mul3A_122 = arith.muli %add3A_120, %mul3A_121 : i32
        %add3A_123 = arith.addi %mul3A_122, %sub3A_117 : i32
        %scan3A_124 = arith.constant 0 : i32
        %scan3A_125 = arith.constant 0 : i32
        %scan3A_126 = arith.constant 4 : i32
        %scan3A_127 = arith.addi %scan3A_125, %scan3A_126 : i32
        %scan3A_128 = arith.constant 1 : i32
        scf.for %scan3A_137 = %scan3A_125 to %scan3A_127 step %scan3A_128  : i32 {
          %mul3A_138 = arith.constant 16 : i32
          %mul3A_139 = arith.muli %scan3A_137, %mul3A_138 : i32
          %get3A = arith.index_cast %mul3A_139 : i32 to index
          %get3A_140 = tpu.vector_load %arg7[%get3A] {strides = array<i32>} : memref<64xi32, #tpu.memory_space<vmem>>, vector<16xi32>,
          %get3A_141 = vector.shape_cast %get3A_140 : vector<16xi32> to vector<16xi32>
          %add3A_142 = vector.broadcast %sub3A_59 : i32 to vector<16xi32>
          %add3A_143 = arith.addi %get3A_141, %add3A_142 : vector<16xi32>
          %ge3A = arith.constant 0 : i32
          %ge3A_144 = vector.broadcast %ge3A : i32 to vector<16xi32>
          %ge3A_145 = arith.cmpi sge, %add3A_143, %ge3A_144 : vector<16xi32>
          %get3A_146 = arith.index_cast %mul3A_139 : i32 to index
          %get3A_147 = tpu.vector_load %arg7[%get3A_146] {strides = array<i32>} : memref<64xi32, #tpu.memory_space<vmem>>, vector<16xi32>,
          %get3A_148 = vector.shape_cast %get3A_147 : vector<16xi32> to vector<16xi32>
          %add3A_149 = vector.broadcast %sub3A_59 : i32 to vector<16xi32>
          %add3A_150 = arith.addi %get3A_148, %add3A_149 : vector<16xi32>
          %lt3A_151 = arith.constant 21 : i32
          %lt3A_152 = vector.broadcast %lt3A_151 : i32 to vector<16xi32>
          %lt3A_153 = arith.cmpi slt, %add3A_150, %lt3A_152 : vector<16xi32>
          %and3A_154 = arith.andi %ge3A_145, %lt3A_153 : vector<16xi1>
          %get3A_155 = arith.index_cast %mul3A_139 : i32 to index
          %get3A_156 = tpu.vector_load %arg8[%get3A_155] {strides = array<i32>} : memref<64xi32, #tpu.memory_space<vmem>>, vector<16xi32>,
          %get3A_157 = vector.shape_cast %get3A_156 : vector<16xi32> to vector<16xi32>
          %add3A_158 = vector.broadcast %sub3A_99 : i32 to vector<16xi32>
          %add3A_159 = arith.addi %get3A_157, %add3A_158 : vector<16xi32>
          %ge3A_160 = arith.constant 0 : i32
          %ge3A_161 = vector.broadcast %ge3A_160 : i32 to vector<16xi32>
          %ge3A_162 = arith.cmpi sge, %add3A_159, %ge3A_161 : vector<16xi32>
          %and3A_163 = arith.andi %and3A_154, %ge3A_162 : vector<16xi1>
          %get3A_164 = arith.index_cast %mul3A_139 : i32 to index
          %get3A_165 = tpu.vector_load %arg8[%get3A_164] {strides = array<i32>} : memref<64xi32, #tpu.memory_space<vmem>>, vector<16xi32>,
          %get3A_166 = vector.shape_cast %get3A_165 : vector<16xi32> to vector<16xi32>
          %add3A_167 = vector.broadcast %sub3A_99 : i32 to vector<16xi32>
          %add3A_168 = arith.addi %get3A_166, %add3A_167 : vector<16xi32>
          %lt3A_169 = arith.constant 320 : i32
          %lt3A_170 = vector.broadcast %lt3A_169 : i32 to vector<16xi32>
          %lt3A_171 = arith.cmpi slt, %add3A_168, %lt3A_170 : vector<16xi32>
          %and3A_172 = arith.andi %and3A_163, %lt3A_171 : vector<16xi1>
          %get3A_173 = arith.index_cast %mul3A_139 : i32 to index
          %get3A_174 = tpu.vector_load %arg9[%get3A_173] {strides = array<i32>} : memref<64xi32, #tpu.memory_space<vmem>>, vector<16xi32>,
          %get3A_175 = vector.shape_cast %get3A_174 : vector<16xi32> to vector<16xi32>
          %add3A_176 = vector.broadcast %sub3A_117 : i32 to vector<16xi32>
          %add3A_177 = arith.addi %get3A_175, %add3A_176 : vector<16xi32>
          %ge3A_178 = arith.constant 0 : i32
          %ge3A_179 = vector.broadcast %ge3A_178 : i32 to vector<16xi32>
          %ge3A_180 = arith.cmpi sge, %add3A_177, %ge3A_179 : vector<16xi32>
          %and3A_181 = arith.andi %and3A_172, %ge3A_180 : vector<16xi1>
          %get3A_182 = arith.index_cast %mul3A_139 : i32 to index
          %get3A_183 = tpu.vector_load %arg9[%get3A_182] {strides = array<i32>} : memref<64xi32, #tpu.memory_space<vmem>>, vector<16xi32>,
          %get3A_184 = vector.shape_cast %get3A_183 : vector<16xi32> to vector<16xi32>
          %add3A_185 = vector.broadcast %sub3A_117 : i32 to vector<16xi32>
          %add3A_186 = arith.addi %get3A_184, %add3A_185 : vector<16xi32>
          %lt3A_187 = arith.constant 320 : i32
          %lt3A_188 = vector.broadcast %lt3A_187 : i32 to vector<16xi32>
          %lt3A_189 = arith.cmpi slt, %add3A_186, %lt3A_188 : vector<16xi32>
          %and3A_190 = arith.andi %and3A_181, %lt3A_189 : vector<16xi1>
          %get3A_191 = arith.index_cast %mul3A_139 : i32 to index
          %get3A_192 = tpu.vector_load %arg10[%get3A_191] {strides = array<i32>} : memref<64xi32, #tpu.memory_space<vmem>>, vector<16xi32>,
          %get3A_193 = vector.shape_cast %get3A_192 : vector<16xi32> to vector<16xi32>
          %add3A_194 = vector.broadcast %add3A_123 : i32 to vector<16xi32>
          %add3A_195 = arith.addi %get3A_193, %add3A_194 : vector<16xi32>
          %jit3A_196 = arith.constant 0 : i32
          %jit3A_197 = arith.constant 4300799 : i32
          %max3A = vector.broadcast %jit3A_196 : i32 to vector<16xi32>
          %max3A_198 = arith.maxsi %max3A, %add3A_195 : vector<16xi32>
          %min3A = vector.broadcast %jit3A_197 : i32 to vector<16xi32>
          %min3A_199 = arith.minsi %min3A, %max3A_198 : vector<16xi32>
          %jit3A_200 = arith.constant 4300800 : i32
          %broadcast_in_dim3A = vector.broadcast %jit3A_200 : i32 to vector<16xi32>
          %select_n3A_201 = arith.select %and3A_190, %min3A_199, %broadcast_in_dim3A : vector<16xi1>, vector<16xi32>
          %swap3A = arith.index_cast %scan3A_41 : i32 to index
          %swap3A_202 = arith.index_cast %mul3A_139 : i32 to index
          %swap3A_203 = tpu.vector_load %arg11[%swap3A, %swap3A_202] {strides = array<i32>} : memref<27x64xi32, #tpu.memory_space<vmem>>, vector<1x16xi32>,
          %swap3A_204 = vector.shape_cast %swap3A_203 : vector<1x16xi32> to vector<16xi32>
          %swap3A_205 = vector.shape_cast %select_n3A_201 : vector<16xi32> to vector<1x16xi32>
          tpu.vector_store %arg11[%swap3A, %swap3A_202], %swap3A_205 {strides = array<i32>} : memref<27x64xi32, #tpu.memory_space<vmem>>, vector<1x16xi32>,
        }
        %scan3A_129 = arith.constant 4 : i32
        %dma_start3A = arith.constant 0 : i32
        %dma_start3A_130 = tpu.memref_slice %arg12[%scan3A_41, %dma_start3A] : memref<27x64xi32, #tpu.memory_space<vmem>> -> memref<1x64xi32, #tpu.memory_space<vmem>>
        %dma_start3A_131 = tpu.memref_squeeze %dma_start3A_130 : memref<1x64xi32, #tpu.memory_space<vmem>> -> memref<64xi32, #tpu.memory_space<vmem>>
        %dma_start3A_132 = arith.constant 0 : i32
        %dma_start3A_133 = tpu.memref_slice %arg11[%scan3A_41, %dma_start3A_132] : memref<27x64xi32, #tpu.memory_space<vmem>> -> memref<1x64xi32, #tpu.memory_space<vmem>>
        %dma_start3A_134 = tpu.memref_squeeze %dma_start3A_133 : memref<1x64xi32, #tpu.memory_space<vmem>> -> memref<64xi32, #tpu.memory_space<vmem>>
        %dma_start3A_135 = arith.constant 0 : i32
        %dma_start3A_136 = tpu.memref_slice %arg2[%dma_start3A_135] : memref<4300808xi32, #tpu.memory_space<hbm>> -> memref<4300808xi32, #tpu.memory_space<hbm>>
        tpu.enqueue_indirect_dma source(%dma_start3A_136 : memref<4300808xi32, #tpu.memory_space<hbm>>) target(%dma_start3A_131 : memref<64xi32, #tpu.memory_space<vmem>>) offsets(%dma_start3A_134 : memref<64xi32, #tpu.memory_space<vmem>>) semaphore(%arg14 : memref<!tpu.dma_semaphore, #tpu.memory_space<semaphore_mem>>)
      }
      %scan3A_23 = arith.constant 27 : i32
      %scan3A_24 = arith.constant 0 : i32
      %scan3A_25 = arith.constant 0 : i32
      %scan3A_26 = arith.constant 27 : i32
      %scan3A_27 = arith.addi %scan3A_25, %scan3A_26 : i32
      %scan3A_28 = arith.constant 1 : i32
      scf.for %scan3A_41 = %scan3A_25 to %scan3A_27 step %scan3A_28  : i32 {
        %dma_wait3A_42 = arith.constant 0 : i32
        %dma_wait3A_43 = tpu.memref_slice %arg12[%scan3A_41, %dma_wait3A_42] : memref<27x64xi32, #tpu.memory_space<vmem>> -> memref<1x64xi32, #tpu.memory_space<vmem>>
        %dma_wait3A_44 = tpu.memref_squeeze %dma_wait3A_43 : memref<1x64xi32, #tpu.memory_space<vmem>> -> memref<64xi32, #tpu.memory_space<vmem>>
        %dma_wait3A_45 = arith.constant 0 : i32
        %dma_wait3A_46 = tpu.memref_slice %arg11[%scan3A_41, %dma_wait3A_45] : memref<27x64xi32, #tpu.memory_space<vmem>> -> memref<1x64xi32, #tpu.memory_space<vmem>>
        %dma_wait3A_47 = tpu.memref_squeeze %dma_wait3A_46 : memref<1x64xi32, #tpu.memory_space<vmem>> -> memref<64xi32, #tpu.memory_space<vmem>>
        %dma_wait3A_48 = arith.constant 0 : i32
        %dma_wait3A_49 = tpu.memref_slice %arg2[%dma_wait3A_48] : memref<4300808xi32, #tpu.memory_space<hbm>> -> memref<4300808xi32, #tpu.memory_space<hbm>>
        tpu.wait_indirect_dma semaphore(%arg14 : memref<!tpu.dma_semaphore, #tpu.memory_space<semaphore_mem>>) src(%dma_wait3A_49 : memref<4300808xi32, #tpu.memory_space<hbm>>) dst(%dma_wait3A_44 : memref<64xi32, #tpu.memory_space<vmem>>)
        %gt3A = arith.constant 0 : i32
        %gt3A_50 = arith.cmpi sgt, %scan3A_41, %gt3A : i32
        %convert_element_type3A = arith.extui %gt3A_50 : i1 to i32
        %cond3A = arith.constant 0 : i32
        %cond3A_51 = arith.cmpi ne, %convert_element_type3A, %cond3A : i32
        scf.if %cond3A_51 {
          %sub3A = arith.constant 1 : i32
          %sub3A_62 = arith.subi %scan3A_41, %sub3A : i32
          %and3A_63 = arith.constant 1 : i32
          %and3A_64 = arith.andi %sub3A_62, %and3A_63 : i32
          %dma_wait3A_65 = arith.constant 0 : i32
          %dma_wait3A_66 = arith.constant 0 : i32
          %dma_wait3A_67 = tpu.memref_slice %arg13[%and3A_64, %dma_wait3A_65, %dma_wait3A_66] : memref<2x64x128xf32, #tpu.memory_space<vmem>> -> memref<1x64x128xf32, #tpu.memory_space<vmem>>
          %dma_wait3A_68 = tpu.memref_squeeze %dma_wait3A_67 : memref<1x64x128xf32, #tpu.memory_space<vmem>> -> memref<64x128xf32, #tpu.memory_space<vmem>>
          %dma_wait3A_69 = arith.constant 0 : i32
          %dma_wait3A_70 = tpu.memref_slice %arg12[%sub3A_62, %dma_wait3A_69] : memref<27x64xi32, #tpu.memory_space<vmem>> -> memref<1x64xi32, #tpu.memory_space<vmem>>
          %dma_wait3A_71 = tpu.memref_squeeze %dma_wait3A_70 : memref<1x64xi32, #tpu.memory_space<vmem>> -> memref<64xi32, #tpu.memory_space<vmem>>
          %dma_wait3A_72 = arith.constant 0 : i32
          %dma_wait3A_73 = arith.constant 0 : i32
          %dma_wait3A_74 = tpu.memref_slice %arg4[%dma_wait3A_72, %dma_wait3A_73] : memref<106496x128xf32, #tpu.memory_space<hbm>> -> memref<106496x128xf32, #tpu.memory_space<hbm>>
          tpu.wait_indirect_dma semaphore(%arg15 : memref<!tpu.dma_semaphore, #tpu.memory_space<semaphore_mem>>) src(%dma_wait3A_74 : memref<106496x128xf32, #tpu.memory_space<hbm>>) dst(%dma_wait3A_68 : memref<64x128xf32, #tpu.memory_space<vmem>>)
          %mul3A_75 = arith.constant 128 : i32
          %mul3A_76 = arith.muli %sub3A_62, %mul3A_75 : i32
          %multiple_of3A = tpu.assume_multiple %mul3A_76, 128 : i32
          %and3A_77 = arith.constant 1 : i32
          %and3A_78 = arith.andi %sub3A_62, %and3A_77 : i32
          "tpu.region"() ({
            %run_scoped3A_79 = tpu.sem_alloc : memref<!tpu.dma_semaphore, #tpu.memory_space<semaphore_mem>>
            %dma_start3A_80 = arith.constant 0 : i32
            %dma_start3A_81 = arith.constant 0 : i32
            %dma_start3A_82 = tpu.memref_slice %arg13[%and3A_78, %dma_start3A_80, %dma_start3A_81] : memref<2x64x128xf32, #tpu.memory_space<vmem>> -> memref<1x64x128xf32, #tpu.memory_space<vmem>>
            %dma_start3A_83 = tpu.memref_squeeze %dma_start3A_82 : memref<1x64x128xf32, #tpu.memory_space<vmem>> -> memref<64x128xf32, #tpu.memory_space<vmem>>
            %dma_start3A_84 = tpu.memref_slice %arg5[%add3A_11, %multiple_of3A] : memref<106496x3456xf32, #tpu.memory_space<hbm>> -> memref<64x128xf32, #tpu.memory_space<hbm>>
            %dma_start3A_85 = tpu.memref_slice %arg5[%add3A_11, %multiple_of3A] : memref<106496x3456xf32, #tpu.memory_space<hbm>> -> memref<64x128xf32, #tpu.memory_space<hbm>>
            %dma_start3A_86 = arith.constant 0 : i32
            %dma_start3A_87 = arith.constant 0 : i32
            %dma_start3A_88 = tpu.memref_slice %arg13[%and3A_78, %dma_start3A_86, %dma_start3A_87] : memref<2x64x128xf32, #tpu.memory_space<vmem>> -> memref<1x64x128xf32, #tpu.memory_space<vmem>>
            %dma_start3A_89 = tpu.memref_squeeze %dma_start3A_88 : memref<1x64x128xf32, #tpu.memory_space<vmem>> -> memref<64x128xf32, #tpu.memory_space<vmem>>
            tpu.enqueue_dma source(%dma_start3A_89 : memref<64x128xf32, #tpu.memory_space<vmem>>) target(%dma_start3A_85 : memref<64x128xf32, #tpu.memory_space<hbm>>) target_semaphore(%run_scoped3A_79 : memref<!tpu.dma_semaphore, #tpu.memory_space<semaphore_mem>>)
            %dma_wait3A_90 = arith.constant 0 : i32
            %dma_wait3A_91 = arith.constant 0 : i32
            %dma_wait3A_92 = tpu.memref_slice %arg13[%and3A_78, %dma_wait3A_90, %dma_wait3A_91] : memref<2x64x128xf32, #tpu.memory_space<vmem>> -> memref<1x64x128xf32, #tpu.memory_space<vmem>>
            %dma_wait3A_93 = tpu.memref_squeeze %dma_wait3A_92 : memref<1x64x128xf32, #tpu.memory_space<vmem>> -> memref<64x128xf32, #tpu.memory_space<vmem>>
            %dma_wait3A_94 = tpu.memref_slice %arg5[%add3A_11, %multiple_of3A] : memref<106496x3456xf32, #tpu.memory_space<hbm>> -> memref<64x128xf32, #tpu.memory_space<hbm>>
            %dma_wait3A_95 = tpu.memref_slice %arg5[%add3A_11, %multiple_of3A] : memref<106496x3456xf32, #tpu.memory_space<hbm>> -> memref<64x128xf32, #tpu.memory_space<hbm>>
            %dma_wait3A_96 = arith.constant 0 : i32
            %dma_wait3A_97 = arith.constant 0 : i32
            %dma_wait3A_98 = tpu.memref_slice %arg13[%and3A_78, %dma_wait3A_96, %dma_wait3A_97] : memref<2x64x128xf32, #tpu.memory_space<vmem>> -> memref<1x64x128xf32, #tpu.memory_space<vmem>>
            %dma_wait3A_99 = tpu.memref_squeeze %dma_wait3A_98 : memref<1x64x128xf32, #tpu.memory_space<vmem>> -> memref<64x128xf32, #tpu.memory_space<vmem>>
            tpu.wait_dma2 semaphore(%run_scoped3A_79 : memref<!tpu.dma_semaphore, #tpu.memory_space<semaphore_mem>>) src(%dma_wait3A_99 : memref<64x128xf32, #tpu.memory_space<vmem>>) dst(%dma_wait3A_95 : memref<64x128xf32, #tpu.memory_space<hbm>>)
            tpu.yield
          }) : () -> ()
        } else {
        }
        %and3A = arith.constant 1 : i32
        %and3A_52 = arith.andi %scan3A_41, %and3A : i32
        %dma_start3A = arith.constant 0 : i32
        %dma_start3A_53 = arith.constant 0 : i32
        %dma_start3A_54 = tpu.memref_slice %arg13[%and3A_52, %dma_start3A, %dma_start3A_53] : memref<2x64x128xf32, #tpu.memory_space<vmem>> -> memref<1x64x128xf32, #tpu.memory_space<vmem>>
        %dma_start3A_55 = tpu.memref_squeeze %dma_start3A_54 : memref<1x64x128xf32, #tpu.memory_space<vmem>> -> memref<64x128xf32, #tpu.memory_space<vmem>>
        %dma_start3A_56 = arith.constant 0 : i32
        %dma_start3A_57 = tpu.memref_slice %arg12[%scan3A_41, %dma_start3A_56] : memref<27x64xi32, #tpu.memory_space<vmem>> -> memref<1x64xi32, #tpu.memory_space<vmem>>
        %dma_start3A_58 = tpu.memref_squeeze %dma_start3A_57 : memref<1x64xi32, #tpu.memory_space<vmem>> -> memref<64xi32, #tpu.memory_space<vmem>>
        %dma_start3A_59 = arith.constant 0 : i32
        %dma_start3A_60 = arith.constant 0 : i32
        %dma_start3A_61 = tpu.memref_slice %arg4[%dma_start3A_59, %dma_start3A_60] : memref<106496x128xf32, #tpu.memory_space<hbm>> -> memref<106496x128xf32, #tpu.memory_space<hbm>>
        tpu.enqueue_indirect_dma source(%dma_start3A_61 : memref<106496x128xf32, #tpu.memory_space<hbm>>) target(%dma_start3A_55 : memref<64x128xf32, #tpu.memory_space<vmem>>) offsets(%dma_start3A_58 : memref<64xi32, #tpu.memory_space<vmem>>) semaphore(%arg15 : memref<!tpu.dma_semaphore, #tpu.memory_space<semaphore_mem>>)
      }
      %scan3A_29 = arith.constant 27 : i32
      %dma_wait3A = arith.constant 26 : i32
      %dma_wait3A_30 = arith.constant 0 : i32
      %dma_wait3A_31 = arith.constant 0 : i32
      %dma_wait3A_32 = arith.constant 0 : i32
      %dma_wait3A_33 = tpu.memref_slice %arg13[%dma_wait3A_30, %dma_wait3A_31, %dma_wait3A_32] : memref<2x64x128xf32, #tpu.memory_space<vmem>> -> memref<1x64x128xf32, #tpu.memory_space<vmem>>
      %dma_wait3A_34 = tpu.memref_squeeze %dma_wait3A_33 : memref<1x64x128xf32, #tpu.memory_space<vmem>> -> memref<64x128xf32, #tpu.memory_space<vmem>>
      %dma_wait3A_35 = arith.constant 0 : i32
      %dma_wait3A_36 = tpu.memref_slice %arg12[%dma_wait3A, %dma_wait3A_35] : memref<27x64xi32, #tpu.memory_space<vmem>> -> memref<1x64xi32, #tpu.memory_space<vmem>>
      %dma_wait3A_37 = tpu.memref_squeeze %dma_wait3A_36 : memref<1x64xi32, #tpu.memory_space<vmem>> -> memref<64xi32, #tpu.memory_space<vmem>>
      %dma_wait3A_38 = arith.constant 0 : i32
      %dma_wait3A_39 = arith.constant 0 : i32
      %dma_wait3A_40 = tpu.memref_slice %arg4[%dma_wait3A_38, %dma_wait3A_39] : memref<106496x128xf32, #tpu.memory_space<hbm>> -> memref<106496x128xf32, #tpu.memory_space<hbm>>
      tpu.wait_indirect_dma semaphore(%arg15 : memref<!tpu.dma_semaphore, #tpu.memory_space<semaphore_mem>>) src(%dma_wait3A_40 : memref<106496x128xf32, #tpu.memory_space<hbm>>) dst(%dma_wait3A_34 : memref<64x128xf32, #tpu.memory_space<vmem>>)
      %run_scoped3A = arith.constant 0 : i32
      "tpu.region"() ({
        %run_scoped3A_41 = tpu.sem_alloc : memref<!tpu.dma_semaphore, #tpu.memory_space<semaphore_mem>>
        %dma_start3A = arith.constant 0 : i32
        %dma_start3A_42 = arith.constant 0 : i32
        %dma_start3A_43 = tpu.memref_slice %arg13[%run_scoped3A, %dma_start3A, %dma_start3A_42] : memref<2x64x128xf32, #tpu.memory_space<vmem>> -> memref<1x64x128xf32, #tpu.memory_space<vmem>>
        %dma_start3A_44 = tpu.memref_squeeze %dma_start3A_43 : memref<1x64x128xf32, #tpu.memory_space<vmem>> -> memref<64x128xf32, #tpu.memory_space<vmem>>
        %dma_start3A_45 = arith.constant 3328 : i32
        %dma_start3A_46 = tpu.memref_slice %arg5[%add3A_11, %dma_start3A_45] : memref<106496x3456xf32, #tpu.memory_space<hbm>> -> memref<64x128xf32, #tpu.memory_space<hbm>>
        %dma_start3A_47 = arith.constant 3328 : i32
        %dma_start3A_48 = tpu.memref_slice %arg5[%add3A_11, %dma_start3A_47] : memref<106496x3456xf32, #tpu.memory_space<hbm>> -> memref<64x128xf32, #tpu.memory_space<hbm>>
        %dma_start3A_49 = arith.constant 0 : i32
        %dma_start3A_50 = arith.constant 0 : i32
        %dma_start3A_51 = tpu.memref_slice %arg13[%run_scoped3A, %dma_start3A_49, %dma_start3A_50] : memref<2x64x128xf32, #tpu.memory_space<vmem>> -> memref<1x64x128xf32, #tpu.memory_space<vmem>>
        %dma_start3A_52 = tpu.memref_squeeze %dma_start3A_51 : memref<1x64x128xf32, #tpu.memory_space<vmem>> -> memref<64x128xf32, #tpu.memory_space<vmem>>
        tpu.enqueue_dma source(%dma_start3A_52 : memref<64x128xf32, #tpu.memory_space<vmem>>) target(%dma_start3A_48 : memref<64x128xf32, #tpu.memory_space<hbm>>) target_semaphore(%run_scoped3A_41 : memref<!tpu.dma_semaphore, #tpu.memory_space<semaphore_mem>>)
        %dma_wait3A_53 = arith.constant 0 : i32
        %dma_wait3A_54 = arith.constant 0 : i32
        %dma_wait3A_55 = tpu.memref_slice %arg13[%run_scoped3A, %dma_wait3A_53, %dma_wait3A_54] : memref<2x64x128xf32, #tpu.memory_space<vmem>> -> memref<1x64x128xf32, #tpu.memory_space<vmem>>
        %dma_wait3A_56 = tpu.memref_squeeze %dma_wait3A_55 : memref<1x64x128xf32, #tpu.memory_space<vmem>> -> memref<64x128xf32, #tpu.memory_space<vmem>>
        %dma_wait3A_57 = arith.constant 3328 : i32
        %dma_wait3A_58 = tpu.memref_slice %arg5[%add3A_11, %dma_wait3A_57] : memref<106496x3456xf32, #tpu.memory_space<hbm>> -> memref<64x128xf32, #tpu.memory_space<hbm>>
        %dma_wait3A_59 = arith.constant 3328 : i32
        %dma_wait3A_60 = tpu.memref_slice %arg5[%add3A_11, %dma_wait3A_59] : memref<106496x3456xf32, #tpu.memory_space<hbm>> -> memref<64x128xf32, #tpu.memory_space<hbm>>
        %dma_wait3A_61 = arith.constant 0 : i32
        %dma_wait3A_62 = arith.constant 0 : i32
        %dma_wait3A_63 = tpu.memref_slice %arg13[%run_scoped3A, %dma_wait3A_61, %dma_wait3A_62] : memref<2x64x128xf32, #tpu.memory_space<vmem>> -> memref<1x64x128xf32, #tpu.memory_space<vmem>>
        %dma_wait3A_64 = tpu.memref_squeeze %dma_wait3A_63 : memref<1x64x128xf32, #tpu.memory_space<vmem>> -> memref<64x128xf32, #tpu.memory_space<vmem>>
        tpu.wait_dma2 semaphore(%run_scoped3A_41 : memref<!tpu.dma_semaphore, #tpu.memory_space<semaphore_mem>>) src(%dma_wait3A_64 : memref<64x128xf32, #tpu.memory_space<vmem>>) dst(%dma_wait3A_60 : memref<64x128xf32, #tpu.memory_space<hbm>>)
        tpu.yield
      }) : () -> ()
    }
    %scan3A_7 = arith.constant 52 : i32
    return
  }
}

module attributes {stable_mosaic.version = 14 : i64} {
  func.func @_tc_body(%arg0: i32, %arg1: memref<1000x3456xf32, #tpu.memory_space<vmem>>, %arg2: memref<3456x32xf32, #tpu.memory_space<vmem>>, %arg3: memref<1x32xf32, #tpu.memory_space<vmem>>, %arg4: memref<1x32xf32, #tpu.memory_space<vmem>>, %arg5: memref<1x32xf32, #tpu.memory_space<vmem>>, %arg6: memref<1000x32xf32, #tpu.memory_space<vmem>>) attributes {dimension_semantics = [#tpu.dimension_semantics<arbitrary>], iteration_bounds = array<i64: 100>, scalar_prefetch = 0 : i64, scratch_operands = 0 : i64, tpu.core_type = #tpu.core_type<tc>, window_params = [{transform_indices = @transform_0, window_bounds = array<i64: 1000, 3456>}, {pipeline_mode = #tpu.pipeline_mode<synchronous>, transform_indices = @transform_1, window_bounds = array<i64: 3456, 32>}, {pipeline_mode = #tpu.pipeline_mode<synchronous>, transform_indices = @transform_2, window_bounds = array<i64: 1, 32>}, {pipeline_mode = #tpu.pipeline_mode<synchronous>, transform_indices = @transform_3, window_bounds = array<i64: 1, 32>}, {pipeline_mode = #tpu.pipeline_mode<synchronous>, transform_indices = @transform_4, window_bounds = array<i64: 1, 32>}, {transform_indices = @transform_5, window_bounds = array<i64: 1000, 32>}]} {
    %get3A = arith.constant 0 : index
    %get3A_0 = arith.constant 0 : index
    %get3A_1 = vector.load %arg1[%get3A, %get3A_0] : memref<1000x3456xf32, #tpu.memory_space<vmem>>, vector<1000x3456xf32>
    %get3A_2 = arith.constant 0 : index
    %get3A_3 = arith.constant 0 : index
    %get3A_4 = vector.load %arg2[%get3A_2, %get3A_3] : memref<3456x32xf32, #tpu.memory_space<vmem>>, vector<3456x32xf32>
    %dot_general3A = arith.constant dense<0.000000e+00> : vector<1000x32xf32>
    %dot_general3A_5 = tpu.matmul %get3A_1, %get3A_4, %dot_general3A {dimension_numbers = #tpu.dot_dimension_numbers<[1], [0], [0], [1], [0, 0, 1, 1], [], []>, transpose_lhs_hint = false} : vector<1000x3456xf32>, vector<3456x32xf32>, vector<1000x32xf32> -> vector<1000x32xf32>
    %get3A_6 = arith.constant 0 : index
    %get3A_7 = arith.constant 0 : index
    %get3A_8 = vector.load %arg3[%get3A_6, %get3A_7] : memref<1x32xf32, #tpu.memory_space<vmem>>, vector<1x32xf32>
    %add3A = vector.broadcast %get3A_8 : vector<1x32xf32> to vector<1000x32xf32>
    %add3A_9 = arith.addf %dot_general3A_5, %add3A : vector<1000x32xf32>
    %mul3A = arith.constant 5.000000e-01 : f32
    %mul3A_10 = vector.broadcast %mul3A : f32 to vector<1000x32xf32>
    %mul3A_11 = arith.mulf %mul3A_10, %add3A_9 : vector<1000x32xf32>
    %mul3A_12 = arith.constant 0.707106769 : f32
    %mul3A_13 = vector.broadcast %mul3A_12 : f32 to vector<1000x32xf32>
    %mul3A_14 = arith.mulf %add3A_9, %mul3A_13 : vector<1000x32xf32>
    %erf3A = math.erf %mul3A_14 : vector<1000x32xf32>
    %add3A_15 = arith.constant 1.000000e+00 : f32
    %add3A_16 = vector.broadcast %add3A_15 : f32 to vector<1000x32xf32>
    %add3A_17 = arith.addf %add3A_16, %erf3A : vector<1000x32xf32>
    %mul3A_18 = arith.mulf %mul3A_11, %add3A_17 : vector<1000x32xf32>
    %reduce_sum3A = arith.constant dense<0.000000e+00> : vector<1000xf32>
    %reduce_sum3A_19 = vector.multi_reduction <add>, %mul3A_18, %reduce_sum3A [1] : vector<1000x32xf32> to vector<1000xf32>
    %broadcast_in_dim3A = vector.shape_cast %reduce_sum3A_19 : vector<1000xf32> to vector<1000x1xf32>
    %div3A = arith.constant 3.200000e+01 : f32
    %div3A_20 = vector.broadcast %div3A : f32 to vector<1000x1xf32>
    %div3A_21 = arith.divf %broadcast_in_dim3A, %div3A_20 : vector<1000x1xf32>
    %sub3A = vector.broadcast %div3A_21 : vector<1000x1xf32> to vector<1000x32xf32>
    %sub3A_22 = arith.subf %mul3A_18, %sub3A : vector<1000x32xf32>
    %mul3A_23 = arith.mulf %sub3A_22, %sub3A_22 : vector<1000x32xf32>
    %reduce_sum3A_24 = arith.constant dense<0.000000e+00> : vector<1000xf32>
    %reduce_sum3A_25 = vector.multi_reduction <add>, %mul3A_23, %reduce_sum3A_24 [1] : vector<1000x32xf32> to vector<1000xf32>
    %broadcast_in_dim3A_26 = vector.shape_cast %reduce_sum3A_25 : vector<1000xf32> to vector<1000x1xf32>
    %div3A_27 = arith.constant 3.200000e+01 : f32
    %div3A_28 = vector.broadcast %div3A_27 : f32 to vector<1000x1xf32>
    %div3A_29 = arith.divf %broadcast_in_dim3A_26, %div3A_28 : vector<1000x1xf32>
    %add3A_30 = arith.constant 9.99999974E-6 : f32
    %add3A_31 = vector.broadcast %add3A_30 : f32 to vector<1000x1xf32>
    %add3A_32 = arith.addf %div3A_29, %add3A_31 : vector<1000x1xf32>
    %rsqrt3A = math.rsqrt %add3A_32 : vector<1000x1xf32>
    %mul3A_33 = vector.broadcast %rsqrt3A : vector<1000x1xf32> to vector<1000x32xf32>
    %mul3A_34 = arith.mulf %sub3A_22, %mul3A_33 : vector<1000x32xf32>
    %get3A_35 = arith.constant 0 : index
    %get3A_36 = arith.constant 0 : index
    %get3A_37 = vector.load %arg4[%get3A_35, %get3A_36] : memref<1x32xf32, #tpu.memory_space<vmem>>, vector<1x32xf32>
    %mul3A_38 = vector.broadcast %get3A_37 : vector<1x32xf32> to vector<1000x32xf32>
    %mul3A_39 = arith.mulf %mul3A_34, %mul3A_38 : vector<1000x32xf32>
    %get3A_40 = arith.constant 0 : index
    %get3A_41 = arith.constant 0 : index
    %get3A_42 = vector.load %arg5[%get3A_40, %get3A_41] : memref<1x32xf32, #tpu.memory_space<vmem>>, vector<1x32xf32>
    %add3A_43 = vector.broadcast %get3A_42 : vector<1x32xf32> to vector<1000x32xf32>
    %add3A_44 = arith.addf %mul3A_39, %add3A_43 : vector<1000x32xf32>
    %swap3A = arith.constant 0 : index
    %swap3A_45 = arith.constant 0 : index
    %swap3A_46 = vector.load %arg6[%swap3A, %swap3A_45] : memref<1000x32xf32, #tpu.memory_space<vmem>>, vector<1000x32xf32>
    tpu.vector_store %arg6[%swap3A, %swap3A_45], %add3A_44 {strides = array<i32>} : memref<1000x32xf32, #tpu.memory_space<vmem>>, vector<1000x32xf32>,
    return
  }
  func.func @transform_0(%arg0: i32) -> (i32, i32) {
    %c0_i32 = arith.constant 0 : i32
    %c0_i32_0 = arith.constant 0 : i32
    return %arg0, %c0_i32 : i32, i32
  }
  func.func @transform_1(%arg0: i32) -> (i32, i32) {
    %c0_i32 = arith.constant 0 : i32
    %c0_i32_0 = arith.constant 0 : i32
    %c0_i32_1 = arith.constant 0 : i32
    return %c0_i32, %c0_i32_0 : i32, i32
  }
  func.func @transform_2(%arg0: i32) -> (i32, i32) {
    %c0_i32 = arith.constant 0 : i32
    %c0_i32_0 = arith.constant 0 : i32
    %c0_i32_1 = arith.constant 0 : i32
    return %c0_i32, %c0_i32_0 : i32, i32
  }
  func.func @transform_3(%arg0: i32) -> (i32, i32) {
    %c0_i32 = arith.constant 0 : i32
    %c0_i32_0 = arith.constant 0 : i32
    %c0_i32_1 = arith.constant 0 : i32
    return %c0_i32, %c0_i32_0 : i32, i32
  }
  func.func @transform_4(%arg0: i32) -> (i32, i32) {
    %c0_i32 = arith.constant 0 : i32
    %c0_i32_0 = arith.constant 0 : i32
    %c0_i32_1 = arith.constant 0 : i32
    return %c0_i32, %c0_i32_0 : i32, i32
  }
  func.func @transform_5(%arg0: i32) -> (i32, i32) {
    %c0_i32 = arith.constant 0 : i32
    %c0_i32_0 = arith.constant 0 : i32
    return %arg0, %c0_i32 : i32, i32
  }
}

</mosaic_0001>

<sc_bundles>
// kernel: kernel.4.cloned.1.call-start
scs
__scs_entry_jumppad:
0x0: {  	(pc) =	sbr.rel $0x88, $3  }
0x1: {  	(tag) =	ssettag $0x0;
	lr =	simm.s32 $0x1  }
0x2: {  	[smem:$0x3F9B] =	sst lr;
	_ =	strace $0xD0000000  }
0x3: {  	_ = 	snop  }
0x4: {  	_ = 	snop  }
0x5: {  	_ = 	snop  }
0x6: {  	_ = 	snop  }
0x7: {  	_ = 	snop  }
__scs_overlays_trampoline_lowered:
0x8: {  	[smem:$0x3FAA] =	sst s0  }
0x9: {  	[smem:$0x3FAB] =	sst s1  }
0xa: {  	[smem:$0x3FAC] =	sst s2  }
0xb: {  	[smem:$0x3FAD] =	sst s3  }
0xc: {  	[smem:$0x3FAE] =	sst s4  }
0xd: {  	[smem:$0x3FAF] =	sst s5  }
0xe: {  	[smem:$0x3FB0] =	sst s6  }
0xf: {  	[smem:$0x3FB1] =	sst s7  }
0x10: {  	[smem:$0x3FB2] =	sst s8  }
0x11: {  	[smem:$0x3FB3] =	sst s9;
	s0 =	simm.s32 @!p0 $0x0  }
0x12: {  	s1 =	sld [smem:$0x3F99];
	s0 =	simm.s32 @p0 $0x1  }
0x13: {  	[smem:$0x3FB4] =	sst s0;
	s0 =	simm.s32 @!p1 $0x0  }
0x14: {  	s2 =	sld [smem:$0x3F98];
	s0 =	simm.s32 @p1 $0x1  }
0x15: {  	[smem:$0x3FB5] =	sst s0;
	s0 =	simm.s32 @!p2 $0x0  }
0x16: {  	s3 =	sld [smem:$0x3FDB];
	s0 =	simm.s32 @p2 $0x1  }
0x17: {  	s4 =	simm.s32 $0x1BF5;
	[smem:$0x3FB7] =	sst s0  }
0x18: {  	s0 =	sld [smem:$0x3F9A];
	_ =	swait.ge [sflag:s4], $0x0  }
0x19: {  	s7 =	sld [smem:$0x3F9B]  }
0x1a: {  	s8 =	sadd.s32 $0xFFFFE003, lr  }
0x1b: {  	s9 =	sadd.s32 $0xFFFFFEF7, lr;
	s5 =	simm.s32 $0xFFFFFFFF;
	p2 =	slt.u32 s8, $0xFFFFF086  }
0x1c: {  	p1 =	slt.u32 s9, $0xF7A;
	s5 =	simm.s32 @!p2 $0x0  }
0x1d: {  	s5 =	simm.s32 @p1 $0x1;
	p0 =	seq.s32 s7, s2  }
0x1e: {  	s7 =	smul.u32 @!p0 $0xF7A, s2;
	p2 =	seq.s32 @!p0 s5, $0x0  }
0x1f: {  	s9 =	smul.u32 $0xF7A, s1;
	s8 =	simm.s32 @!p0 $0x1BF5;
	p2 =	por !p2, p0  }
0x20: {  	[sflag:s8] =	ssyncset.s32 @!p0 $0xFFFFF086;
	s6 =	sadd.s32 @!p0 s3, s7;
	s7 =	simm.s32 @!p0 $0x108  }
0x21: {  	s3 =	sadd.s32 s3, s9;
	s6 =	sadd.s32 @!p0 $0x88, s6;
	s7 =	simm.s32 @p2 $0x1082  }
0x22: {  	[simem:s7], [sflag:s8] =	dma.local @!p0 [hbm:s6], $0xF7A  }
0x23: {  	s9 =	sor.u32 $0xD0000000, s2;
	s6 =	simm.s32 $0x108;
	_ =	swait.ge @!p0 [sflag:s8], $0x0  }
0x24: {  	s3 =	sadd.s32 $0x88, s3;
	s6 =	simm.s32 @!p1 $0x1082;
	[sflag:s4] =	ssyncset.s32 $0xFFFFF086  }
0x25: {  	[simem:s6], [sflag:s4] =	dma.local [hbm:s3], $0xF7A  }
0x26: {  	[smem:$0x3F9B] =	sst s1;
	(tag) =	ssettag s2;
	_ =	strace s9  }
0x27: {  	s1 =	sld [smem:$0x3FAB]  }
0x28: {  	s2 =	sld [smem:$0x3FAC]  }
0x29: {  	s4 =	sld [smem:$0x3FAE]  }
0x2a: {  	p0 =	seq.s32 s5, $0x0;
	s5 =	sld [smem:$0x3FAF]  }
0x2b: {  	s6 =	sld [smem:$0x3FB0]  }
0x2c: {  	s7 =	sld [smem:$0x3FB1]  }
0x2d: {  	s3 =	simm.s32 $0x108;
	s8 =	sld [smem:$0x3FB2]  }
0x2e: {  	s3 =	simm.s32 @!p0 $0x1082;
	s9 =	sld [smem:$0x3FB3]  }
0x2f: {  	lr =	sadd.s32 s0, s3;
	s0 =	sld [smem:$0x3FAA]  }
0x30: {  	s3 =	sld [smem:$0x3FAD]  }
0x31: {  	[smem:$0x3FB6] =	sst s10  }
0x32: {  	s10 =	sld [smem:$0x3FB4];
	_ =	sdelay $0x3  }
0x33: {  	p0 =	seq.s32 s10, $0x1;
	s10 =	sld [smem:$0x3FB6];
	_ =	sdelay $0x3  }
0x34: {  	[smem:$0x3FB6] =	sst s10  }
0x35: {  	s10 =	sld [smem:$0x3FB5];
	_ =	sdelay $0x3  }
0x36: {  	p1 =	seq.s32 s10, $0x1;
	s10 =	sld [smem:$0x3FB6];
	_ =	sdelay $0x3  }
0x37: {  	[smem:$0x3FB6] =	sst s10  }
0x38: {  	s10 =	sld [smem:$0x3FB7]  }
0x39: {  	_ = 	snop;
	(pc) =	sbr.ind lr, $3  }
0x3a: {  	_ = 	snop  }
0x3b: {  	_ = 	snop  }
0x3c: {  	p2 =	seq.s32 s10, $0x1;
	s10 =	sld [smem:$0x3FB6]  }
0x3d: {  	_ =	shalt  }
0x3e: {  	_ =	shalt  }
0x3f: {  	_ =	shalt  }
0x40: {  	_ =	shalt  }
0x41: {  	_ =	shalt  }
0x42: {  	_ =	shalt  }
0x43: {  	_ =	shalt  }
0x44: {  	_ =	shalt  }
0x45: {  	_ =	shalt  }
0x46: {  	_ =	shalt  }
0x47: {  	_ =	shalt  }
0x48: {  	_ =	shalt  }
0x49: {  	_ =	shalt  }
0x4a: {  	_ =	shalt  }
0x4b: {  	_ =	shalt  }
0x4c: {  	_ =	shalt  }
0x4d: {  	_ =	shalt  }
0x4e: {  	_ =	shalt  }
0x4f: {  	_ =	shalt  }
0x50: {  	_ =	shalt  }
0x51: {  	_ =	shalt  }
0x52: {  	_ =	shalt  }
0x53: {  	_ =	shalt  }
0x54: {  	_ =	shalt  }
0x55: {  	_ =	shalt  }
0x56: {  	_ =	shalt  }
0x57: {  	_ =	shalt  }
0x58: {  	_ =	shalt  }
0x59: {  	_ =	shalt  }
0x5a: {  	_ =	shalt  }
0x5b: {  	_ =	shalt  }
0x5c: {  	_ =	shalt  }
0x5d: {  	_ =	shalt  }
0x5e: {  	_ =	shalt  }
0x5f: {  	_ =	shalt  }
0x60: {  	_ =	shalt  }
0x61: {  	_ =	shalt  }
0x62: {  	_ =	shalt  }
0x63: {  	_ =	shalt  }
0x64: {  	_ =	shalt  }
0x65: {  	_ =	shalt  }
0x66: {  	_ =	shalt  }
0x67: {  	_ =	shalt  }
0x68: {  	_ =	shalt  }
0x69: {  	_ =	shalt  }
0x6a: {  	_ =	shalt  }
0x6b: {  	_ =	shalt  }
0x6c: {  	_ =	shalt  }
0x6d: {  	_ =	shalt  }
0x6e: {  	_ =	shalt  }
0x6f: {  	_ =	shalt  }
0x70: {  	_ =	shalt  }
0x71: {  	_ =	shalt  }
0x72: {  	_ =	shalt  }
0x73: {  	_ =	shalt  }
0x74: {  	_ =	shalt  }
0x75: {  	_ =	shalt  }
0x76: {  	_ =	shalt  }
0x77: {  	_ =	shalt  }
0x78: {  	_ =	shalt  }
0x79: {  	_ =	shalt  }
0x7a: {  	_ =	shalt  }
0x7b: {  	_ =	shalt  }
0x7c: {  	_ =	shalt  }
0x7d: {  	_ =	shalt  }
0x7e: {  	_ =	shalt  }
0x7f: {  	_ =	shalt  }
0x80: {  	_ =	shalt  }
0x81: {  	_ =	shalt  }
0x82: {  	_ =	shalt  }
0x83: {  	_ =	shalt  }
0x84: {  	_ =	shalt  }
0x85: {  	_ =	shalt  }
0x86: {  	_ =	shalt  }
0x87: {  	_ =	shalt  }
.Lfunc_end0:
.L_simem_size_0:
called_computation_lowered:
.L_overlay_start_0:
0x88: {  	s2 =	sld [smem:$0x3FD9]  }
0x89: {  	s3 =	sld [smem:$0x3FFE];
	_ =	sdelay $0x1  }
0x8a: {  	s1 =	srdreg.scid  }
0x8b: {  	s0 =	sand.u32 $0x1, s1  }
0x8c: {  	s17 =	sshll.u32 s0, $0xA;
	s2 =	sadd.s32 s3, s2  }
0x8d: {  	s2 =	sadd.s32 s2, s17  }
0x8e: {  	[smem:$0x3FC2] =	sst s2  }
0x8f: {  	_ = 	snop  }
0x90: {  	s2 =	sld [smem:$0x3FD0];
	(tm) =	ssettm $0x1  }
0x91: {  	s18 =	sld [smem:$0x3FFB];
	_ =	sdelay $0x3  }
0x92: {  	_ =	strace s18  }
0x93: {  	s3 =	sld [smem:$0x3FFC];
	_ =	sdelay $0x3  }
0x94: {  	_ =	strace s3  }
0x95: {  	s3 =	sld [smem:$0x3FFD];
	_ =	sdelay $0x3  }
0x96: {  	_ =	strace s3  }
0x97: {  	_ =	strace $0x8FFFFFFF  }
0x98: {  	s19 =	sld [smem:$0x3FDB];
	_ =	sdelay $0x1  }
0x99: {  	s4 =	simm.s32 $_scs_section_size  }
0x9a: {  	s5 =	simm.s32 $_size__tile_overlayer_lowered;
	s6 =	simm.s32 $_tile_overlayer_lowered  }
0x9b: {  	s22 =	simm.s32 $0x1BFF;
	s21 =	sshll.u32 s6, $0x1;
	s3 =	sadd.s32 s4, s19  }
0x9c: {  	s7 =	simm.s32 $0x0;
	s20 =	sshll.u32 s5, $0x1;
	s5 =	sadd.s32 s21, s3  }
0x9d: {  	[timem:s7], [sflag:s22] =	dma.local [hbm:s5], s20  }
0x9e: {  	_ =	swait.ge [sflag:s22], s20  }
0x9f: {  	s4 =	ssub.s32 $0x0, s20;
	[sflag:s22] =	ssyncset.done $0x0  }
0xa0: {  	[sflag:s22] =	ssyncadd.s32 s4;
	_ =	sdelay $0x1  }
0xa1: {  	s23 =	simm.s32 $0x1B8B  }
0xa2: {  	_ =	swait.ge [sflag:s23], $0x1  }
0xa3: {  	[sflag:s23] =	ssyncset.done $0x0  }
0xa4: {  	s25 =	simm.s32 $0x1B8E;
	s24 =	sld [smem:$0x3FFE];
	[sflag:s23] =	ssyncadd.s32 $0xFFFFFFFF  }
0xa5: {  	s26 =	simm.s32 $execute0_lowered;
	[smem:$0x3FD2] =	sst s25  }
0xa6: {  	s5 =	sshll.u32 s26, $0x1;
	_ =	strace $0x80000046;
	[dreg:$0x1] =	wrdreg $0xFFFFFFFF  }
0xa7: {  	s28 =	simm.s32 $_size_execute0_lowered;
	s3 =	sadd.s32 s3, s5;
	[dreg:$0x0] =	wrdreg $0x0  }
0xa8: {  	s5 =	sshll.u32 s28, $0x1;
	[dreg:$0x2] =	wrdreg s3  }
0xa9: {  	[dreg:$0x3] =	wrdreg s5  }
0xaa: {  	[dreg:$0x4] =	wrdreg $0xC0  }
0xab: {  	_ =	task [dreg:s7], $0x5FFFF  }
0xac: {  	[dreg:$0x1] =	wrdreg $0xFFFFFFFF  }
0xad: {  	[dreg:$0x0] =	wrdreg $0x60  }
0xae: {  	[dreg:$0x2] =	wrdreg s24  }
0xaf: {  	[dreg:$0x3] =	wrdreg s2  }
0xb0: {  	[dreg:$0x4] =	wrdreg $0x9  }
0xb1: {  	_ =	task.clear_ibuf [dreg:s7], $0x5FFFF;
	_ =	strace $0x90000046  }
0xb2: {  	s29 =	simm.s32 $0x9;
	_ =	strace $0x80000048  }
0xb3: {  	_ =	swait.ge [sflag:s29], $0x1  }
0xb4: {  	[sflag:s29] =	ssyncadd.s32 $0xFFFFFFFF  }
0xb5: {  	_ =	strace $0x90000048  }
0xb6: {  	_ =	sfence  }
0xb7: {  	s30 =	sld [smem:$0x0];
	_ =	sdelay $0x2  }
0xb8: {  	s31 =	sshll.u32 s1, $0xD;
	s1 =	sshrl.u32 s1, $0x2  }
0xb9: {  	s3 =	sand.u32 $0x4000, s31;
	s1 =	sadd.s32 s1, s30  }
0xba: {  	s0 =	sor.u32 s3, s0;
	s1 =	sshll.u32 s1, $0x11  }
0xbb: {  	s0 =	sor.u32 s1, s0  }
0xbc: {  	s0 =	sadd.s32 $0x8F2B, s0  }
0xbd: {  	[sflag:s0] =	ssyncadd.remote.s32 $0x1  }
0xbe: {  	_ =	sfence.sel $0xFFFF  }
0xbf: {  	[dreg:$0x0] =	wrdreg $0xFFFFFFFF;
	(pc) =	sbr.abs _section_cstart, $3  }
0xc0: {  	[dreg:$0x1] =	wrdreg $0xFFFFFFFF  }
0xc1: {  	_ =	task.clear_ibuf [dreg:s7], $0x2FFFF;
	_ =	strace $0x9FFFFFFF  }
0xc2: {  	(tm) =	ssettm $0x7FFFFFFF  }
0xc3: {  	_ =	shalt  }
tec
execute0_lowered:
.L_overlay_start_1:
0x0: {  	(tag) =	ssettag $0x1  }
0x1: {  	s2 =	rddreg [dreg:$0x0]  }
0x2: {  	s3 =	rddreg [dreg:$0x1]  }
0x3: {  	s0 =	srdreg.scid;
	s8 =	stileid.u32;
	s4 =	simm.s32 $0x0  }
0x4: {  	s10 =	simm.s32 $0x3;
	s11 =	simm.s32 $0x40;
	s12 =	simm.s32 $0x1  }
0x5: {  	s13 =	simm.s32 $0x1280;
	s0 =	sand.u32 $0x1, s0;
	s1 =	smul.u32 $0x1A00, s8  }
0x6: {  	s14 =	simm.s32 $0x2280;
	s15 =	simm.s32 $0x2;
	s6 =	smul.u32 $0xD00, s0  }
0x7: {  	s16 =	simm.s32 $0x400;
	s17 =	simm.s32 $0x6C00;
	[smem:$0x7FF] =	sst s4  }
0x8: {  	s5 =	sadd.s32 $0x186A00, s2;
	s7 =	ssub.s32 $0x2, s0;
	s1 =	sadd.s32 s6, s1  }
0x9: {  	s8 =	sshll.u32 s8, $0x1;
	s30 =	sshrl.u32 s7, $0x1;
	s1 =	sshrl.u32 s1, $0x3  }
0xa: {  	_ =	strace $0x80000047;
	s9 =	ssub.s32 s7, s30;
	s1 =	smul.u32 $0xD80, s1  }
0xb: {  	s0 =	sor.u32 s0, s8;
	s6 =	sadd.s32 $0x326A00, s2;
	s31 =	smax.u32 s9, $0x1  }
0xc: {  	v0 =	vimm.s32 $0x15;
	s7 =	smul.u32 $0xD00, s0;
	[dreg:$0x3] =	wrdreg s31;
	s9 =	sadd.s32 s1, s6  }
.LBB2_1:
0xd: {  	s18 =	smov.u32 s9;
	s19 =	simm.s32 $0x0  }
.LBB2_2:
0xe: {  	s0 =	sshll.u32 s19, $0x6  }
0xf: {  	s0 =	sadd.s32 s7, s0  }
0x10: {  	s20 =	sshrl.u32 s0, $0x3  }
0x11: {  	s23 =	simm.s32 $0x0;
	s0 =	sadd.s32 s3, s20  }
0x12: {  	[tilespmem:s23], [sflag:$0x3] =	stream.linear.gather [hbm4b:s0+s23], $0x40, $0x38;
	[tilespmem:$0x6280] =	vst v63  }
0x13: {  	_ =	swait.ge [sflag:s10], $0x40  }
0x14: {  	[sflag:s10] =	ssyncset.done $0x0  }
0x15: {  	[sflag:s10] =	ssyncadd.s32 $0xFFFFFFC0  }
0x16: {  	v1 =	vld [tilespmem:$0x0]  }
0x17: {  	v2 =	vld [tilespmem:$0x10];
	_ =	sdelay $0x1  }
0x18: {  	v50 =	vld [tilespmem:$0x20];
	_ =	sdelay $0x1  }
0x19: {  	v3 =	vand.u32 $0x800000, v1;
	v4 =	vshrl.u32 v1, $0x12  }
0x1a: {  	v5 =	vshrl.u32 v1, $0x9;
	v6 =	vand.u32 $0x800000, v2;
	v7 =	vshrl.u32 v2, $0x12  }
0x1b: {  	v51 =	vld [tilespmem:$0x30];
	v9 =	vshrl.u32 v2, $0x9;
	v1 =	vand.u32 $0x1FF, v1;
	vm0 =	veq.s32 v3, $0x0  }
0x1c: {  	v53 =	vand.u32 $0x800000, v50;
	v3 =	vand.u32 $0x1F, v4;
	v49 =	vsel vm0, $0x0, v0  }
0x1d: {  	v54 =	vshrl.u32 v50, $0x12;
	vm15 =	veq.s32 v6, $0x0;
	v4 =	vadd.s32 v3, v49  }
0x1e: {  	v7 =	vand.u32 $0x1F, v7;
	v8 =	vsel vm15, $0x0, v0;
	v4 =	vmul.u32 $0x140, v4  }
0x1f: {  	v2 =	vand.u32 $0x1FF, v2;
	v5 =	vand.u32 $0x1FF, v5;
	v8 =	vadd.s32 v7, v8  }
0x20: {  	v57 =	vand.u32 $0x800000, v51;
	v8 =	vmul.u32 $0x140, v8;
	v4 =	vadd.s32 v5, v4  }
0x21: {  	vm4 =	veq.s32 v53, $0x0;
	[tilespmem:$0x80] =	vst v3;
	v3 =	vand.u32 $0x1FF, v9;
	v4 =	vmul.u32 $0x140, v4  }
0x22: {  	s25 =	smul.u32 $0x39, s23;
	[tilespmem:$0x180] =	vst v1;
	v55 =	vand.u32 $0x1F, v54;
	v56 =	vsel vm4, $0x0, v0;
	v52 =	vadd.s32 v3, v8  }
0x23: {  	[tilespmem:$0x100] =	vst v5;
	v5 =	vadd.s32 v55, v56;
	v4 =	vadd.s32 v1, v4;
	v1 =	vmul.u32 $0x140, v52  }
0x24: {  	s0 =	sshrl.u32 s25, $0x9;
	vm5 =	veq.s32 v57, $0x0;
	[tilespmem:$0x110] =	vst v3;
	v3 =	vshrl.u32 v50, $0x9;
	v5 =	vmul.u32 $0x140, v5  }
0x25: {  	s0 =	sand.u32 $0x7F, s0;
	[tilespmem:$0x190] =	vst v2;
	v1 =	vadd.s32 v2, v1;
	v2 =	vand.u32 $0x1FF, v3;
	v3 =	vshrl.u32 v51, $0x12  }
0x26: {  	s1 =	smul.u32 $0x9, s0;
	v58 =	vsel vm5, $0x0, v0;
	[tilespmem:$0x210] =	vst v1;
	v1 =	vadd.s32 v2, v5;
	v3 =	vand.u32 $0x1F, v3  }
0x27: {  	[tilespmem:$0x200] =	vst v4;
	v1 =	vmul.u32 $0x140, v1;
	v59 =	vadd.s32 v3, v58  }
0x28: {  	s1 =	ssub.s32 $0x0, s1;
	v60 =	vand.u32 $0x1FF, v50;
	[tilespmem:$0x120] =	vst v2;
	v2 =	vshrl.u32 v51, $0x9;
	v4 =	vmul.u32 $0x140, v59  }
0x29: {  	s26 =	sand.u32 $0xFF, s1;
	v2 =	vand.u32 $0x1FF, v2;
	v1 =	vadd.s32 v60, v1  }
0x2a: {  	s23 =	smul.u32 $0x56, s26;
	[tilespmem:$0x220] =	vst v1;
	v1 =	vadd.s32 v2, v4  }
0x2b: {  	v1 =	vmul.u32 $0x140, v1  }
0x2c: {  	s24 =	sshrl.u32 s23, $0x8;
	[tilespmem:$0xB0] =	vst v3;
	v3 =	vand.u32 $0x1FF, v51  }
0x2d: {  	s23 =	sadd.s32 $0xFFFFFFFF, s0;
	s8 =	smul.u32 $0x3, s24;
	[tilespmem:$0x130] =	vst v2;
	v2 =	vld [tilespmem:$0x200];
	v1 =	vadd.s32 v3, v1  }
0x2e: {  	s25 =	smul.u32 $0x140, s23;
	[tilespmem:$0x230] =	vst v1;
	v1 =	vld [tilespmem:$0x100]  }
0x2f: {  	s24 =	sadd.s32 $0xFFFFFFFF, s24;
	[tilespmem:$0x1B0] =	vst v3;
	v3 =	vld [tilespmem:$0x80]  }
0x30: {  	s0 =	ssub.s32 s1, s8;
	s26 =	sadd.s32 s24, s25;
	v61 =	vld [tilespmem:$0x180]  }
0x31: {  	s0 =	sand.u32 $0xFF, s0;
	s1 =	smul.u32 $0x140, s26  }
0x32: {  	s25 =	sadd.s32 $0xFFFFFFFF, s0  }
0x33: {  	s26 =	sadd.s32 s25, s1;
	v1 =	vadd.s32 s24, v1  }
0x34: {  	v2 =	vadd.s32 s26, v2;
	vm6 =	vlt.u32 v1, $0x140;
	v1 =	vadd.s32 s23, v3  }
0x35: {  	vm1 =	vgt.s32 v2, $0x0;
	v3 =	vadd.s32 s25, v61;
	vm2 =	vlt.u32 v1, $0x15  }
0x36: {  	[tilespmem:$0x1A0] =	vst v60;
	v1 =	vnsel vm1, $0x0, v2;
	vm7 =	vlt.u32 v3, $0x140;
	vm0 =	vmand vm2, vm6  }
0x37: {  	[tilespmem:$0x90] =	vst v7;
	v1 =	vmin.u32 v1, $0x419FFF;
	vm0 =	vmand vm0, vm7  }
0x38: {  	s22 =	simm.s32 $0x280;
	[tilespmem:$0xA0] =	vst v55;
	v1 =	vnsel vm0, $0x41A000, v1  }
0x39: {  	[tilespmem:s22+$0x0] =	vst v1  }
0x3a: {  	v1 =	vld [tilespmem:$0x90]  }
0x3b: {  	v2 =	vld [tilespmem:$0x110]  }
0x3c: {  	v3 =	vld [tilespmem:$0x210]  }
0x3d: {  	v62 =	vld [tilespmem:$0x190];
	_ =	sdelay $0x2  }
0x3e: {  	v1 =	vadd.s32 s23, v1  }
0x3f: {  	vm8 =	vlt.u32 v1, $0x15;
	v1 =	vadd.s32 s24, v2;
	v2 =	vadd.s32 s26, v3  }
0x40: {  	vm9 =	vlt.u32 v1, $0x140;
	v1 =	vadd.s32 s25, v62;
	vm10 =	vgt.s32 v2, $0x0  }
0x41: {  	vm0 =	vmand vm8, vm9;
	vm11 =	vlt.u32 v1, $0x140;
	v1 =	vnsel vm10, $0x0, v2  }
0x42: {  	vm0 =	vmand vm0, vm11;
	v1 =	vmin.u32 v1, $0x419FFF  }
0x43: {  	v1 =	vnsel vm0, $0x41A000, v1  }
0x44: {  	[tilespmem:s22+$0x10] =	vst v1  }
0x45: {  	v1 =	vld [tilespmem:$0x120]  }
0x46: {  	v2 =	vld [tilespmem:$0xA0]  }
0x47: {  	v3 =	vld [tilespmem:$0x220]  }
0x48: {  	v63 =	vld [tilespmem:$0x1A0];
	_ =	sdelay $0x2  }
0x49: {  	v2 =	vadd.s32 s23, v2  }
0x4a: {  	v1 =	vadd.s32 s24, v1;
	vm12 =	vlt.u32 v2, $0x15;
	v2 =	vadd.s32 s26, v3  }
0x4b: {  	vm13 =	vlt.u32 v1, $0x140;
	v1 =	vadd.s32 s25, v63;
	vm14 =	vgt.s32 v2, $0x0  }
0x4c: {  	vm0 =	vmand vm12, vm13;
	vm15 =	vlt.u32 v1, $0x140;
	v1 =	vnsel vm14, $0x0, v2  }
0x4d: {  	vm0 =	vmand vm0, vm15;
	v1 =	vmin.u32 v1, $0x419FFF  }
0x4e: {  	v1 =	vnsel vm0, $0x41A000, v1  }
0x4f: {  	[tilespmem:s22+$0x20] =	vst v1  }
0x50: {  	s21 =	simm.s32 $0x1280;
	s30 =	simm.s32 $0x1;
	s31 =	simm.s32 $0x2;
	v1 =	vld [tilespmem:$0xB0]  }
0x51: {  	s28 =	simm.s32 $0x280;
	s29 =	simm.s32 $0x1280;
	s0 =	smul.u32 $0x39, s30;
	v2 =	vld [tilespmem:$0x130]  }
.LBB2_3:
0x52: {  	s21 =	sadd.s32 $0x80, s21  }
0x53: {  	v3 =	vld [tilespmem:$0x230];
	s22 =	sadd.s32 $0x80, s22;
	s8 =	smov.u32 s31;
	s1 =	sadd.s32 $0x1, s31  }
0x54: {  	p0 =	seq.s32 s31, $0x1A;
	s0 =	sshrl.u32 s0, $0x9;
	v4 =	vld [tilespmem:$0x1B0]  }
0x55: {  	s0 =	sand.u32 $0x7F, s0  }
0x56: {  	s31 =	smul.u32 $0x9, s0;
	v1 =	vadd.s32 s23, v1  }
0x57: {  	vm0 =	vlt.u32 v1, $0x15;
	v1 =	vadd.s32 s24, v2  }
0x58: {  	s24 =	ssub.s32 s30, s31;
	vm1 =	vlt.u32 v1, $0x140;
	v1 =	vadd.s32 s26, v3;
	s30 =	smov.u32 s8  }
0x59: {  	s8 =	sand.u32 $0xFF, s24;
	vm0 =	vmand vm0, vm1;
	v2 =	vadd.s32 s25, v4;
	vm1 =	vgt.s32 v1, $0x0  }
0x5a: {  	s8 =	smul.u32 $0x56, s8;
	vm2 =	vlt.u32 v2, $0x140;
	v1 =	vnsel vm1, $0x0, v1  }
0x5b: {  	vm0 =	vmand vm0, vm2;
	v1 =	vmin.u32 v1, $0x419FFF  }
0x5c: {  	s8 =	sshrl.u32 s8, $0x8;
	v1 =	vnsel vm0, $0x41A000, v1  }
0x5d: {  	s23 =	sadd.s32 $0xFFFFFFFF, s0;
	s0 =	smul.u32 $0x3, s8;
	[tilespmem:s28+$0x30] =	vst v1  }
0x5e: {  	[tilespmem:s29], [sflag:$0x1] =	stream.indirect.gather [hbm4b:s2+s11], $0x1, s28, s11, $0xb8;
	[tilespmem:$0x6280] =	vst v63  }
0x5f: {  	s25 =	smul.u32 $0x140, s23;
	s29 =	smov.u32 s21;
	s28 =	smov.u32 s22;
	v1 =	vld [tilespmem:$0x100]  }
0x60: {  	s0 =	ssub.s32 s24, s0;
	s24 =	sadd.s32 $0xFFFFFFFF, s8;
	v2 =	vld [tilespmem:$0x200]  }
0x61: {  	s0 =	sand.u32 $0xFF, s0;
	s8 =	sadd.s32 s24, s25;
	v3 =	vld [tilespmem:$0x180]  }
0x62: {  	s8 =	smul.u32 $0x140, s8;
	v4 =	vld [tilespmem:$0x80]  }
0x63: {  	s25 =	sadd.s32 $0xFFFFFFFF, s0  }
0x64: {  	s26 =	sadd.s32 s25, s8  }
0x65: {  	v1 =	vadd.s32 s24, v1;
	v2 =	vadd.s32 s26, v2  }
0x66: {  	vm0 =	vlt.u32 v1, $0x140;
	v1 =	vadd.s32 s25, v3;
	vm1 =	vgt.s32 v2, $0x0  }
0x67: {  	v3 =	vadd.s32 s23, v4;
	vm2 =	vlt.u32 v1, $0x140;
	v1 =	vnsel vm1, $0x0, v2  }
0x68: {  	vm1 =	vlt.u32 v3, $0x15;
	v1 =	vmin.u32 v1, $0x419FFF  }
0x69: {  	vm0 =	vmand vm1, vm0  }
0x6a: {  	vm0 =	vmand vm0, vm2  }
0x6b: {  	v1 =	vnsel vm0, $0x41A000, v1  }
0x6c: {  	[tilespmem:s22+$0x0] =	vst v1  }
0x6d: {  	v1 =	vld [tilespmem:$0x90]  }
0x6e: {  	v2 =	vld [tilespmem:$0x110]  }
0x6f: {  	v3 =	vld [tilespmem:$0x210]  }
0x70: {  	v4 =	vld [tilespmem:$0x190];
	_ =	sdelay $0x1  }
0x71: {  	v1 =	vadd.s32 s23, v1  }
0x72: {  	vm0 =	vlt.u32 v1, $0x15;
	v1 =	vadd.s32 s24, v2  }
0x73: {  	vm1 =	vlt.u32 v1, $0x140;
	v1 =	vadd.s32 s26, v3  }
0x74: {  	vm0 =	vmand vm0, vm1;
	v2 =	vadd.s32 s25, v4;
	vm1 =	vgt.s32 v1, $0x0  }
0x75: {  	vm2 =	vlt.u32 v2, $0x140;
	v1 =	vnsel vm1, $0x0, v1  }
0x76: {  	vm0 =	vmand vm0, vm2;
	v1 =	vmin.u32 v1, $0x419FFF  }
0x77: {  	v1 =	vnsel vm0, $0x41A000, v1  }
0x78: {  	[tilespmem:s22+$0x10] =	vst v1  }
0x79: {  	v1 =	vld [tilespmem:$0x120]  }
0x7a: {  	v2 =	vld [tilespmem:$0xA0];
	_ =	sdelay $0x1  }
0x7b: {  	v3 =	vld [tilespmem:$0x220]  }
0x7c: {  	v4 =	vld [tilespmem:$0x1A0]  }
0x7d: {  	v1 =	vadd.s32 s24, v1  }
0x7e: {  	v2 =	vadd.s32 s23, v2  }
0x7f: {  	vm1 =	vlt.u32 v1, $0x140;
	vm0 =	vlt.u32 v2, $0x15  }
0x80: {  	vm0 =	vmand vm0, vm1;
	v1 =	vadd.s32 s26, v3  }
0x81: {  	v2 =	vadd.s32 s25, v4;
	vm1 =	vgt.s32 v1, $0x0  }
0x82: {  	vm2 =	vlt.u32 v2, $0x140;
	v1 =	vnsel vm1, $0x0, v1  }
.Ltmp0:
0x83: {  	vm0 =	vmand vm0, vm2;
	v1 =	vmin.u32 v1, $0x419FFF;
	(pc) =	sbr.rel @!p0 .LBB2_3-.Ltmp0, $4  }
0x84: {  	v1 =	vnsel vm0, $0x41A000, v1  }
0x85: {  	[tilespmem:s22+$0x20] =	vst v1  }
0x86: {  	v1 =	vld [tilespmem:$0xB0]  }
0x87: {  	s31 =	smov.u32 s1;
	s0 =	smul.u32 $0x39, s30;
	v2 =	vld [tilespmem:$0x130]  }
0x88: {  	v3 =	vld [tilespmem:$0x230]  }
0x89: {  	v4 =	vld [tilespmem:$0x1B0]  }
0x8a: {  	s0 =	sshrl.u32 s0, $0x9  }
0x8b: {  	s0 =	sand.u32 $0x7F, s0  }
0x8c: {  	s1 =	smul.u32 $0x9, s0;
	v1 =	vadd.s32 s23, v1  }
0x8d: {  	vm0 =	vlt.u32 v1, $0x15;
	v1 =	vadd.s32 s24, v2;
	v2 =	vadd.s32 s26, v3  }
0x8e: {  	s1 =	ssub.s32 s30, s1;
	vm1 =	vlt.u32 v1, $0x140;
	v1 =	vadd.s32 s25, v4;
	vm2 =	vgt.s32 v2, $0x0  }
0x8f: {  	s8 =	sand.u32 $0xFF, s1;
	vm0 =	vmand vm0, vm1;
	vm11 =	vlt.u32 v1, $0x140;
	v1 =	vnsel vm2, $0x0, v2  }
0x90: {  	s8 =	smul.u32 $0x56, s8;
	vm0 =	vmand vm0, vm11;
	v1 =	vmin.u32 v1, $0x419FFF  }
0x91: {  	v1 =	vnsel vm0, $0x41A000, v1  }
0x92: {  	s8 =	sshrl.u32 s8, $0x8;
	[tilespmem:s28+$0x30] =	vst v1  }
0x93: {  	[tilespmem:s29], [sflag:$0x1] =	stream.indirect.gather [hbm4b:s2+s11], $0x1, s28, s11, $0xb8;
	[tilespmem:$0x6280] =	vst v63  }
0x94: {  	s30 =	smul.u32 $0x3, s8;
	s29 =	sadd.s32 $0xFFFFFFFF, s0;
	v1 =	vld [tilespmem:$0x100]  }
0x95: {  	s31 =	smul.u32 $0x140, s29;
	v2 =	vld [tilespmem:$0x200]  }
0x96: {  	s8 =	sadd.s32 $0xFFFFFFFF, s8;
	v3 =	vld [tilespmem:$0x80]  }
0x97: {  	s0 =	ssub.s32 s1, s30;
	v60 =	vld [tilespmem:$0x180];
	s26 =	sadd.s32 s8, s31  }
0x98: {  	s0 =	sand.u32 $0xFF, s0;
	s1 =	smul.u32 $0x140, s26  }
0x99: {  	s0 =	sadd.s32 $0xFFFFFFFF, s0  }
0x9a: {  	s1 =	sadd.s32 s0, s1;
	v1 =	vadd.s32 s8, v1  }
0x9b: {  	v2 =	vadd.s32 s1, v2;
	vm12 =	vlt.u32 v1, $0x140;
	v1 =	vadd.s32 s29, v3  }
0x9c: {  	v3 =	vadd.s32 s0, v60;
	vm13 =	vgt.s32 v2, $0x0;
	vm14 =	vlt.u32 v1, $0x15  }
0x9d: {  	vm15 =	vlt.u32 v3, $0x140;
	v1 =	vnsel vm13, $0x0, v2;
	vm0 =	vmand vm14, vm12  }
0x9e: {  	v1 =	vmin.u32 v1, $0x419FFF;
	vm0 =	vmand vm0, vm15  }
0x9f: {  	s28 =	sadd.s32 $0x80, s22;
	v1 =	vnsel vm0, $0x41A000, v1  }
0xa0: {  	[tilespmem:s28+$0x0] =	vst v1  }
0xa1: {  	v1 =	vld [tilespmem:$0x90]  }
0xa2: {  	v2 =	vld [tilespmem:$0x110]  }
0xa3: {  	v3 =	vld [tilespmem:$0x210]  }
0xa4: {  	v61 =	vld [tilespmem:$0x190];
	_ =	sdelay $0x2  }
0xa5: {  	v1 =	vadd.s32 s29, v1  }
0xa6: {  	vm4 =	vlt.u32 v1, $0x15;
	v1 =	vadd.s32 s8, v2;
	v2 =	vadd.s32 s1, v3  }
0xa7: {  	vm5 =	vlt.u32 v1, $0x140;
	v1 =	vadd.s32 s0, v61;
	vm6 =	vgt.s32 v2, $0x0  }
0xa8: {  	vm0 =	vmand vm4, vm5;
	vm7 =	vlt.u32 v1, $0x140;
	v1 =	vnsel vm6, $0x0, v2  }
0xa9: {  	vm0 =	vmand vm0, vm7;
	v1 =	vmin.u32 v1, $0x419FFF  }
0xaa: {  	v1 =	vnsel vm0, $0x41A000, v1  }
0xab: {  	[tilespmem:s28+$0x10] =	vst v1  }
0xac: {  	v1 =	vld [tilespmem:$0x120]  }
0xad: {  	v2 =	vld [tilespmem:$0xA0]  }
0xae: {  	v3 =	vld [tilespmem:$0x220]  }
0xaf: {  	v62 =	vld [tilespmem:$0x1A0];
	_ =	sdelay $0x2  }
0xb0: {  	v2 =	vadd.s32 s29, v2  }
0xb1: {  	v1 =	vadd.s32 s8, v1;
	vm8 =	vlt.u32 v2, $0x15;
	v2 =	vadd.s32 s1, v3  }
0xb2: {  	vm9 =	vlt.u32 v1, $0x140;
	v1 =	vadd.s32 s0, v62;
	vm10 =	vgt.s32 v2, $0x0  }
0xb3: {  	vm0 =	vmand vm8, vm9;
	vm11 =	vlt.u32 v1, $0x140;
	v1 =	vnsel vm10, $0x0, v2  }
0xb4: {  	vm0 =	vmand vm0, vm11;
	v1 =	vmin.u32 v1, $0x419FFF  }
0xb5: {  	v1 =	vnsel vm0, $0x41A000, v1  }
0xb6: {  	[tilespmem:s28+$0x20] =	vst v1  }
0xb7: {  	v1 =	vld [tilespmem:$0xB0]  }
0xb8: {  	v2 =	vld [tilespmem:$0x130]  }
0xb9: {  	v3 =	vld [tilespmem:$0x230]  }
0xba: {  	v63 =	vld [tilespmem:$0x1B0];
	_ =	sdelay $0x2  }
0xbb: {  	v1 =	vadd.s32 s29, v1  }
0xbc: {  	vm12 =	vlt.u32 v1, $0x15;
	v1 =	vadd.s32 s8, v2;
	v2 =	vadd.s32 s1, v3  }
0xbd: {  	vm13 =	vlt.u32 v1, $0x140;
	v1 =	vadd.s32 s0, v63;
	vm14 =	vgt.s32 v2, $0x0  }
0xbe: {  	vm0 =	vmand vm12, vm13;
	vm15 =	vlt.u32 v1, $0x140;
	v1 =	vnsel vm14, $0x0, v2  }
0xbf: {  	vm0 =	vmand vm0, vm15;
	v1 =	vmin.u32 v1, $0x419FFF  }
0xc0: {  	v1 =	vnsel vm0, $0x41A000, v1  }
0xc1: {  	s29 =	sadd.s32 $0x80, s21;
	[tilespmem:s28+$0x30] =	vst v1  }
0xc2: {  	[tilespmem:s29], [sflag:$0x1] =	stream.indirect.gather [hbm4b:s2+s11], $0x1, s28, s11, $0xb8;
	[tilespmem:$0x6280] =	vst v63  }
0xc3: {  	_ =	swait.ge [sflag:s12], $0x40  }
0xc4: {  	[sflag:s12] =	ssyncset.done $0x0  }
0xc5: {  	[sflag:s12] =	ssyncadd.s32 $0xFFFFFFC0  }
0xc6: {  	[tilespmem:s14], [sflag:$0x2] =	stream.indirect.gather [hbm4b:s5+s11], $0x80, s13, s11, $0xb8;
	[tilespmem:$0x6280] =	vst v63  }
0xc7: {  	_ =	swait.ge [sflag:s12], $0x40  }
0xc8: {  	[sflag:s12] =	ssyncset.done $0x0  }
0xc9: {  	[sflag:s12] =	ssyncadd.s32 $0xFFFFFFC0  }
0xca: {  	s31 =	simm.s32 $0x0;
	_ =	swait.ge [sflag:s15], $0x2000  }
0xcb: {  	s20 =	smul.u32 $0x6C00, s20;
	s1 =	sand.u32 $0x2000, s31;
	[sflag:s15] =	ssyncset.done $0x0  }
0xcc: {  	s23 =	sadd.s32 $0x80, s18;
	s1 =	sadd.s32 $0x2280, s1;
	[sflag:s15] =	ssyncadd.s32 $0xFFFFE000  }
0xcd: {  	[hbm4b:s18+s16] =	stream.strided.scatter [tilespmem:s1], [sflag:$0x3], $0x2000, s17, s16, $0x38;
	[tilespmem:$0x6280] =	vst v63  }
0xce: {  	s24 =	simm.s32 $0x1380;
	s30 =	simm.s32 $0x2000;
	_ =	swait.ge [sflag:s10], $0x2000  }
0xcf: {  	s22 =	simm.s32 $0x4000;
	s0 =	sand.u32 $0x2000, s30;
	[sflag:s10] =	ssyncset.done $0x0  }
0xd0: {  	s21 =	simm.s32 $0x1300;
	s0 =	sadd.s32 $0x2280, s0;
	[sflag:s10] =	ssyncadd.s32 $0xFFFFE000  }
.LBB2_5:
0xd1: {  	[tilespmem:s0], [sflag:$0x2] =	stream.indirect.gather [hbm4b:s5+s11], $0x80, s21, s11, $0xb8;
	[tilespmem:$0x6280] =	vst v63  }
0xd2: {  	s0 =	smov.u32 s22;
	s21 =	smov.u32 s24  }
0xd3: {  	p0 =	sne.s32 s22, $0x34000;
	s22 =	sadd.s32 $0x2000, s22;
	_ =	swait.ge [sflag:s12], $0x40  }
0xd4: {  	[sflag:s12] =	ssyncset.done $0x0  }
0xd5: {  	[sflag:s12] =	ssyncadd.s32 $0xFFFFFFC0  }
0xd6: {  	s1 =	sadd.s32 $0xFFFFE000, s0;
	_ =	swait.ge [sflag:s15], $0x2000  }
0xd7: {  	s1 =	sand.u32 $0x2000, s1;
	[sflag:s15] =	ssyncset.done $0x0  }
.Ltmp1:
0xd8: {  	s1 =	sadd.s32 $0x2280, s1;
	[sflag:s15] =	ssyncadd.s32 $0xFFFFE000;
	(pc) =	sbr.rel @p0 .LBB2_5-.Ltmp1, $4  }
0xd9: {  	[hbm4b:s23+s16] =	stream.strided.scatter [tilespmem:s1], [sflag:$0x3], $0x2000, s17, s16, $0x38;
	[tilespmem:$0x6280] =	vst v63  }
0xda: {  	_ =	swait.ge [sflag:s10], $0x2000  }
0xdb: {  	s0 =	sand.u32 $0x2000, s0;
	s23 =	sadd.s32 $0x80, s23;
	[sflag:s10] =	ssyncset.done $0x0  }
0xdc: {  	s24 =	sadd.s32 $0x80, s24;
	s0 =	sadd.s32 $0x2280, s0;
	[sflag:s10] =	ssyncadd.s32 $0xFFFFE000  }
0xdd: {  	[tilespmem:s0], [sflag:$0x2] =	stream.indirect.gather [hbm4b:s5+s11], $0x80, s21, s11, $0xb8;
	[tilespmem:$0x6280] =	vst v63  }
0xde: {  	s31 =	sshrl.u32 s20, $0x3;
	s19 =	sadd.s32 $0x1, s19;
	_ =	swait.ge [sflag:s15], $0x2000  }
0xdf: {  	s0 =	sadd.s32 s6, s31;
	p0 =	sne.s32 s19, $0x34;
	[sflag:s15] =	ssyncset.done $0x0  }
.Ltmp2:
0xe0: {  	s0 =	sadd.s32 $0xD00, s0;
	[sflag:s15] =	ssyncadd.s32 $0xFFFFE000;
	(pc) =	sbr.rel @p0 .LBB2_2-.Ltmp2, $4  }
0xe1: {  	[hbm4b:s0+s16] =	stream.strided.scatter [tilespmem:s14], [sflag:$0x3], $0x2000, s17, s16, $0x38;
	[tilespmem:$0x6280] =	vst v63  }
0xe2: {  	_ =	swait.ge [sflag:s10], $0x2000  }
0xe3: {  	[sflag:s10] =	ssyncset.done $0x0  }
0xe4: {  	s18 =	sadd.s32 $0x6C00, s18;
	[sflag:s10] =	ssyncadd.s32 $0xFFFFE000  }
0xe5: {  	s4 =	sadd.s32 $0x1, s4;
	s0 =	rddreg [dreg:$0x3]  }
0xe6: {  	p0 =	sne.s32 s4, s0  }
.Ltmp3:
0xe7: {  	_ = 	snop;
	(pc) =	sbr.rel @p0 .LBB2_1-.Ltmp3, $1  }
0xe8: {  	_ =	sdelay $0x3  }
0xe9: {  	_ =	sfence.sel $0x180000  }
0xea: {  	[bflag:$0x0] =	sbarrier.arrive $0xFFFF  }
0xeb: {  	_ =	strace $0x90000047  }
0xec: {  	s0 =	stileid.u32;
	[bflag:$0x2] =	sbarrier.arrive $0xFFFF  }
0xed: {  	p0 =	sne.s32 s0, $0x0;
	s0 =	rddreg [dreg:$0x2]  }
0xee: {  	s0 =	sadd.s32 @!p0 $0x100000, s0  }
0xef: {  	[sflag:s0] =	ssyncadd.tile.s32 @!p0 $0x1;
	_ =	shalt  }
.Lfunc_end2:
_tile_overlayer_lowered:
.L_overlay_start_2:
0xf0: {  	(tag) =	ssettag $0x2  }
0xf1: {  	s0 =	rddreg [dreg:$0x0];
	s2 =	stileid.u32  }
0xf2: {  	s1 =	rddreg [dreg:$0x1];
	p0 =	sne.s32 s2, $0x0  }
0xf3: {  	s3 =	rddreg [dreg:$0x2];
	[bflag:$0x3] =	sbarrier.arrive $0xFFFF;
	s2 =	simm.s32 @!p0 $0x1C03  }
0xf4: {  	[timem:s3], [sflag:s2] =	dma.local @!p0 [hbm:s0], s1  }
0xf5: {  	s0 =	simm.s32 @!p0 $0x3  }
0xf6: {  	_ =	swait.ge @!p0 [sflag:s0], s1  }
0xf7: {  	s1 =	ssub.s32 @!p0 $0x0, s1;
	[sflag:s0] =	ssyncset.done @!p0 $0x0  }
0xf8: {  	[sflag:s0] =	ssyncadd.s32 @!p0 s1  }
0xf9: {  	[bflag:$0x3] =	sbarrier.arrive $0xFFFF  }
0xfa: {  	_ =	shalt  }

</sc_bundles>
